<compile_context>
chip_gen: v7x
topology: tpu7x:2x2x1
jax: 0.10.2.dev20260603
libtpu: 0.0.44.dev20260713+nightly
codegen_flags: <defaults>
</compile_context>

<pallas_src>
import functools

import jax
import jax.numpy as jnp
from jax import lax
from jax.experimental import pallas as pl
from jax.experimental.pallas import tpu as pltpu
from jax.experimental.pallas import tpu_sc as plsc
from jax.scipy.special import logsumexp

F = 26
C = 16
CARD = 256
B = 16384
NT = F - 1
NC, NS = 2, 16
NW = NC * NS
B_PER_W = B // NW
CHUNK = 32
NCHUNK = B_PER_W // CHUNK
ROWS = CHUNK * NT


def _lse_body(extra_ref, w_ref, t_ref):
    j = pl.program_id(0)
    w = w_ref[0]
    s = jnp.sum(jnp.exp(w), axis=0)
    t = -jnp.log(s)
    t_ref[0] = jnp.where(j == 0, t + extra_ref[...], t)


def _norm_tables(class_logits, W_self, W_pair):
    cl_norm = class_logits - logsumexp(class_logits)
    ws_norm = W_self - logsumexp(W_self, axis=0)
    extra = (ws_norm + cl_norm[None, :]).T
    wpt = jnp.transpose(W_pair, (0, 1, 3, 2))
    t = pl.pallas_call(
        _lse_body,
        grid=(NT,),
        in_specs=[
            pl.BlockSpec((C, CARD), lambda j: (0, 0)),
            pl.BlockSpec((1, CARD, C, CARD), lambda j: (j, 0, 0, 0)),
        ],
        out_specs=pl.BlockSpec((1, C, CARD), lambda j: (j, 0, 0)),
        out_shape=jax.ShapeDtypeStruct((NT, C, CARD), jnp.float32),
    )(extra, wpt)
    return t.reshape(NT * C, CARD), W_pair.reshape(NT * CARD * CARD, C)


def _gather_sum_body(idxb_hbm, idxs_hbm, wp_hbm, tcp_hbm, out_hbm,
                     idxb_v, idxs_v, rows_b, out_v, slab_v,
                     t_loc, semb):
    cid = lax.axis_index("c")
    sid = lax.axis_index("s")
    wid = sid * NC + cid
    lanes = lax.iota(jnp.int32, C)

    def _xpose(j, _):
        pltpu.sync_copy(tcp_hbm.at[pl.ds(j * C, C)], slab_v)

        def body(p, _):
            t_loc[j * CARD + p] = plsc.load_gather(
                slab_v, [lanes, jnp.full((C,), p, jnp.int32)])
            return 0
        lax.fori_loop(0, CARD, body, 0)
        return 0
    lax.fori_loop(0, NT, _xpose, 0)

    def chunk_body(ch, _):
        g = wid * NCHUNK + ch
        pltpu.sync_copy(idxb_hbm.at[pl.ds(g * ROWS, ROWS)], idxb_v)
        pltpu.sync_copy(idxs_hbm.at[pl.ds(g * CHUNK * 32, CHUNK * 32)],
                        idxs_v)
        d = pltpu.make_async_copy(wp_hbm.at[idxb_v], rows_b, semb)
        d.start()

        def tbody(bl, _):
            v0 = idxs_v[pl.ds(bl * 32, C)]
            v1 = idxs_v[pl.ds(bl * 32 + C, C)]
            acc = plsc.load_gather(
                t_loc, [jnp.full((C,), v0[0], jnp.int32), lanes])
            for j in range(1, NT):
                r = v0[j] if j < C else v1[j - C]
                acc = acc + plsc.load_gather(
                    t_loc, [jnp.full((C,), r, jnp.int32), lanes])
            out_v[bl] = acc
            return 0
        lax.fori_loop(0, CHUNK, tbody, 0)
        d.wait()

        def bbody(bl, _):
            acc = out_v[bl] + rows_b[bl]
            for j in range(1, NT):
                acc = acc + rows_b[j * CHUNK + bl]
            out_v[bl] = acc
            return 0
        lax.fori_loop(0, CHUNK, bbody, 0)
        pltpu.sync_copy(out_v, out_hbm.at[pl.ds(wid * B_PER_W + ch * CHUNK,
                                                CHUNK)])
        return 0
    lax.fori_loop(0, NCHUNK, chunk_body, 0)


def kernel(x, class_logits, W_self, W_pair, training):
    del training
    xi = x.astype(jnp.int32)
    t2, wp2 = _norm_tables(class_logits, W_self, W_pair)
    j_ar = jnp.arange(NT, dtype=jnp.int32)[None, :]
    nblk = B // CHUNK
    idx_big = (j_ar * (CARD * CARD) + xi[:, 1:] * CARD + xi[:, :-1])
    idx_small = (j_ar * CARD + xi[:, :NT])
    idx_big = idx_big.reshape(nblk, CHUNK, NT).transpose(0, 2, 1).reshape(-1)
    idx_small = jnp.pad(idx_small, ((0, 0), (0, 32 - NT))).reshape(-1)

    mesh = plsc.VectorSubcoreMesh(core_axis_name="c", subcore_axis_name="s",
                                  num_cores=NC, num_subcores=NS)
    run = functools.partial(
        pl.kernel,
        out_type=jax.ShapeDtypeStruct((B, C), jnp.float32),
        mesh=mesh,
        compiler_params=pltpu.CompilerParams(use_tc_tiling_on_sc=False,
                                             needs_layout_passes=False),
        scratch_types=[
            pltpu.VMEM((ROWS,), jnp.int32),
            pltpu.VMEM((CHUNK * 32,), jnp.int32),
            pltpu.VMEM((ROWS, C), jnp.float32),
            pltpu.VMEM((CHUNK, C), jnp.float32),
            pltpu.VMEM((C, CARD), jnp.float32),
            pltpu.VMEM((NT * CARD, C), jnp.float32),
            pltpu.SemaphoreType.DMA,
        ],
    )(_gather_sum_body)
    return run(idx_big, idx_small, wp2, t2)

# --- scband reference (transcript-rebuilt; emitter-appended) ---
"""Pipeline reference for scband-tan-bayes-net-classifier-fixed-69346541961595 (READ-ONLY COPY).

The authoritative reference and input builder live on the scoring server;
editing this copy changes nothing except your own understanding.
"""

import jax, jax.numpy as jnp
import numpy as np
from jax.scipy.special import logsumexp

N_FEATURES = 26
N_CLASSES = 16
CARD = 256
BATCH = 16384


def setup_inputs(seed: int = 0) -> dict:
    key = jax.random.key(seed)
    k1, k2, k3, k4 = jax.random.split(key, 4)
    x = jax.random.randint(k1, (BATCH, N_FEATURES), 0, CARD, dtype=jnp.int64 if jax.config.jax_enable_x64 else jnp.int32)
    # Parameters, matching the TF module's random-uniform init in [-0.1, 0.1]
    class_logits = jax.random.uniform(k2, (N_CLASSES,), minval=-0.1, maxval=0.1, dtype=jnp.float32)
    # feature 0 is the root: augmenting_features[0] == 0 -> table [card, n_classes]
    W_self = jax.random.uniform(k3, (CARD, N_CLASSES), minval=-0.1, maxval=0.1, dtype=jnp.float32)
    # features 1..25 each conditioned on the previous feature -> tables [card, card, n_classes], stacked
    W_pair = jax.random.uniform(k4, (N_FEATURES - 1, CARD, CARD, N_CLASSES), minval=-0.1, maxval=0.1, dtype=jnp.float32)
    return {"x": x, "class_logits": class_logits, "W_self": W_self, "W_pair": W_pair, "training": 0}


def reference(x, class_logits, W_self, W_pair, training=0):
    # class prior, log-normalized
    cl = class_logits - logsumexp(class_logits)
    out = jnp.broadcast_to(cl[None, :], (x.shape[0], N_CLASSES))
    # root feature (cond_idx == feature_idx): normalize over feature axis (axis 0), gather by x[:, 0]
    ws_norm = W_self - logsumexp(W_self, axis=0)
    out = out + jnp.take(ws_norm, x[:, 0], axis=0)
    # augmented features i (i >= 1), conditioned on feature i-1:
    # normalize each table over its feature axis (axis 0 of the table == axis 1 of the stack)
    wp_norm = W_pair - logsumexp(W_pair, axis=1, keepdims=True)
    # gather_nd equivalent: wp_norm[i-1, x[:, i], x[:, i-1]] for i in 1..25
    tbl_idx = jnp.arange(N_FEATURES - 1)[None, :]  # (1, 25)
    gathered = wp_norm[tbl_idx, x[:, 1:], x[:, :-1]]  # (B, 25, n_classes)
    out = out + jnp.sum(gathered, axis=1)
    return out

if __name__ == "__main__":
    import jax
    _d = setup_inputs()
    print(jax.jit(kernel)(*tuple(_d.values())))

</pallas_src>

<mosaic_0001>
#map = affine_map<(d0, d1) -> (0)>
#map1 = affine_map<(d0, d1) -> (0, 0)>
module attributes {stable_mosaic.version = 14 : i64} {
  func.func @_gather_sum_body(%arg0: i32, %arg1: i32, %arg2: memref<409600xi32, #tpu.memory_space<hbm>>, %arg3: memref<524288xi32, #tpu.memory_space<hbm>>, %arg4: memref<1638400x16xf32, #tpu.memory_space<hbm>>, %arg5: memref<400x256xf32, #tpu.memory_space<hbm>>, %arg6: memref<16384x16xf32, #tpu.memory_space<hbm>>, %arg7: memref<800xi32, #tpu.memory_space<vmem>>, %arg8: memref<1024xi32, #tpu.memory_space<vmem>>, %arg9: memref<800x16xf32, #tpu.memory_space<vmem>>, %arg10: memref<32x16xf32, #tpu.memory_space<vmem>>, %arg11: memref<16x256xf32, #tpu.memory_space<vmem>>, %arg12: memref<6400x16xf32, #tpu.memory_space<vmem>>, %arg13: memref<!tpu.dma_semaphore, #tpu.memory_space<semaphore_mem>>) attributes {dimension_semantics = [#tpu.dimension_semantics<core_parallel>, #tpu.dimension_semantics<subcore_parallel>], iteration_bounds = array<i64: 2, 16>, scalar_prefetch = 0 : i64, scratch_operands = 7 : i64, tpu.core_type = #tpu.core_type<sc_vector_subcore>, window_params = [{transform_indices = #map}, {transform_indices = #map}, {transform_indices = #map1}, {transform_indices = #map1}, {transform_indices = #map1}]} {
    %mul3A = arith.constant 2 : i32
    %mul3A_0 = arith.muli %arg1, %mul3A : i32
    %add3A = arith.addi %mul3A_0, %arg0 : i32
    %iota3A = tpu.iota {dimensions = array<i32: 0>} : vector<16xi32>
    %scan3A = arith.constant 0 : i32
    %scan3A_1 = arith.constant 0 : i32
    %scan3A_2 = arith.constant 25 : i32
    %scan3A_3 = arith.addi %scan3A_1, %scan3A_2 : i32
    %scan3A_4 = arith.constant 1 : i32
    %scan3A_5 = scf.for %scan3A_14 = %scan3A_1 to %scan3A_3 step %scan3A_4 iter_args(%scan3A_15 = %scan3A) -> (i32)  : i32 {
      %mul3A_16 = arith.constant 16 : i32
      %mul3A_17 = arith.muli %scan3A_14, %mul3A_16 : i32
      "tpu.region"() ({
        %run_scoped3A = tpu.sem_alloc : memref<!tpu.dma_semaphore, #tpu.memory_space<semaphore_mem>>
        %dma_start3A = arith.constant 0 : i32
        %dma_start3A_26 = tpu.memref_slice %arg5[%mul3A_17, %dma_start3A] : memref<400x256xf32, #tpu.memory_space<hbm>> -> memref<16x256xf32, #tpu.memory_space<hbm>>
        %dma_start3A_27 = arith.constant 0 : i32
        %dma_start3A_28 = tpu.memref_slice %arg5[%mul3A_17, %dma_start3A_27] : memref<400x256xf32, #tpu.memory_space<hbm>> -> memref<16x256xf32, #tpu.memory_space<hbm>>
        tpu.enqueue_dma source(%dma_start3A_28 : memref<16x256xf32, #tpu.memory_space<hbm>>) target(%arg11 : memref<16x256xf32, #tpu.memory_space<vmem>>) target_semaphore(%run_scoped3A : memref<!tpu.dma_semaphore, #tpu.memory_space<semaphore_mem>>)
        %dma_wait3A = arith.constant 0 : i32
        %dma_wait3A_29 = tpu.memref_slice %arg5[%mul3A_17, %dma_wait3A] : memref<400x256xf32, #tpu.memory_space<hbm>> -> memref<16x256xf32, #tpu.memory_space<hbm>>
        %dma_wait3A_30 = arith.constant 0 : i32
        %dma_wait3A_31 = tpu.memref_slice %arg5[%mul3A_17, %dma_wait3A_30] : memref<400x256xf32, #tpu.memory_space<hbm>> -> memref<16x256xf32, #tpu.memory_space<hbm>>
        tpu.wait_dma2 semaphore(%run_scoped3A : memref<!tpu.dma_semaphore, #tpu.memory_space<semaphore_mem>>) src(%dma_wait3A_31 : memref<16x256xf32, #tpu.memory_space<hbm>>) dst(%arg11 : memref<16x256xf32, #tpu.memory_space<vmem>>)
        tpu.yield
      }) : () -> ()
      %scan3A_18 = arith.constant 0 : i32
      %scan3A_19 = arith.constant 0 : i32
      %scan3A_20 = arith.constant 256 : i32
      %scan3A_21 = arith.addi %scan3A_19, %scan3A_20 : i32
      %scan3A_22 = arith.constant 1 : i32
      %scan3A_23 = scf.for %scan3A_26 = %scan3A_19 to %scan3A_21 step %scan3A_22 iter_args(%scan3A_27 = %scan3A_18) -> (i32)  : i32 {
        %broadcast_in_dim3A = vector.broadcast %scan3A_26 : i32 to vector<16xi32>
        %gather3A = tpu.vector_load_idx %arg11[%iota3A, %broadcast_in_dim3A] : memref<16x256xf32, #tpu.memory_space<vmem>>[vector<16xi32>, vector<16xi32>], vector<16xf32>,
        %mul3A_28 = arith.constant 256 : i32
        %mul3A_29 = arith.muli %scan3A_14, %mul3A_28 : i32
        %add3A_30 = arith.addi %mul3A_29, %scan3A_26 : i32
        %swap3A = arith.index_cast %add3A_30 : i32 to index
        %swap3A_31 = arith.constant 0 : index
        %swap3A_32 = tpu.vector_load %arg12[%swap3A, %swap3A_31] {strides = array<i32>} : memref<6400x16xf32, #tpu.memory_space<vmem>>, vector<16xf32>,
        tpu.vector_store %arg12[%swap3A, %swap3A_31], %gather3A {strides = array<i32>} : memref<6400x16xf32, #tpu.memory_space<vmem>>, vector<16xf32>,
        %scan3A_33 = arith.constant 0 : i32
        scf.yield %scan3A_33 : i32
      }
      %scan3A_24 = arith.constant 256 : i32
      %scan3A_25 = arith.constant 0 : i32
      scf.yield %scan3A_25 : i32
    }
    %scan3A_6 = arith.constant 25 : i32
    %scan3A_7 = arith.constant 0 : i32
    %scan3A_8 = arith.constant 0 : i32
    %scan3A_9 = arith.constant 16 : i32
    %scan3A_10 = arith.addi %scan3A_8, %scan3A_9 : i32
    %scan3A_11 = arith.constant 1 : i32
    %scan3A_12 = scf.for %scan3A_14 = %scan3A_8 to %scan3A_10 step %scan3A_11 iter_args(%scan3A_15 = %scan3A_7) -> (i32)  : i32 {
      %mul3A_16 = arith.constant 16 : i32
      %mul3A_17 = arith.muli %add3A, %mul3A_16 : i32
      %add3A_18 = arith.addi %mul3A_17, %scan3A_14 : i32
      %mul3A_19 = arith.constant 800 : i32
      %mul3A_20 = arith.muli %add3A_18, %mul3A_19 : i32
      "tpu.region"() ({
        %run_scoped3A = tpu.sem_alloc : memref<!tpu.dma_semaphore, #tpu.memory_space<semaphore_mem>>
        %dma_start3A_49 = tpu.memref_slice %arg2[%mul3A_20] : memref<409600xi32, #tpu.memory_space<hbm>> -> memref<800xi32, #tpu.memory_space<hbm>>
        %dma_start3A_50 = tpu.memref_slice %arg2[%mul3A_20] : memref<409600xi32, #tpu.memory_space<hbm>> -> memref<800xi32, #tpu.memory_space<hbm>>
        tpu.enqueue_dma source(%dma_start3A_50 : memref<800xi32, #tpu.memory_space<hbm>>) target(%arg7 : memref<800xi32, #tpu.memory_space<vmem>>) target_semaphore(%run_scoped3A : memref<!tpu.dma_semaphore, #tpu.memory_space<semaphore_mem>>)
        %dma_wait3A_51 = tpu.memref_slice %arg2[%mul3A_20] : memref<409600xi32, #tpu.memory_space<hbm>> -> memref<800xi32, #tpu.memory_space<hbm>>
        %dma_wait3A_52 = tpu.memref_slice %arg2[%mul3A_20] : memref<409600xi32, #tpu.memory_space<hbm>> -> memref<800xi32, #tpu.memory_space<hbm>>
        tpu.wait_dma2 semaphore(%run_scoped3A : memref<!tpu.dma_semaphore, #tpu.memory_space<semaphore_mem>>) src(%dma_wait3A_52 : memref<800xi32, #tpu.memory_space<hbm>>) dst(%arg7 : memref<800xi32, #tpu.memory_space<vmem>>)
        tpu.yield
      }) : () -> ()
      %mul3A_21 = arith.constant 32 : i32
      %mul3A_22 = arith.muli %add3A_18, %mul3A_21 : i32
      %mul3A_23 = arith.constant 32 : i32
      %mul3A_24 = arith.muli %mul3A_22, %mul3A_23 : i32
      "tpu.region"() ({
        %run_scoped3A = tpu.sem_alloc : memref<!tpu.dma_semaphore, #tpu.memory_space<semaphore_mem>>
        %dma_start3A_49 = tpu.memref_slice %arg3[%mul3A_24] : memref<524288xi32, #tpu.memory_space<hbm>> -> memref<1024xi32, #tpu.memory_space<hbm>>
        %dma_start3A_50 = tpu.memref_slice %arg3[%mul3A_24] : memref<524288xi32, #tpu.memory_space<hbm>> -> memref<1024xi32, #tpu.memory_space<hbm>>
        tpu.enqueue_dma source(%dma_start3A_50 : memref<1024xi32, #tpu.memory_space<hbm>>) target(%arg8 : memref<1024xi32, #tpu.memory_space<vmem>>) target_semaphore(%run_scoped3A : memref<!tpu.dma_semaphore, #tpu.memory_space<semaphore_mem>>)
        %dma_wait3A_51 = tpu.memref_slice %arg3[%mul3A_24] : memref<524288xi32, #tpu.memory_space<hbm>> -> memref<1024xi32, #tpu.memory_space<hbm>>
        %dma_wait3A_52 = tpu.memref_slice %arg3[%mul3A_24] : memref<524288xi32, #tpu.memory_space<hbm>> -> memref<1024xi32, #tpu.memory_space<hbm>>
        tpu.wait_dma2 semaphore(%run_scoped3A : memref<!tpu.dma_semaphore, #tpu.memory_space<semaphore_mem>>) src(%dma_wait3A_52 : memref<1024xi32, #tpu.memory_space<hbm>>) dst(%arg8 : memref<1024xi32, #tpu.memory_space<vmem>>)
        tpu.yield
      }) : () -> ()
      %dma_start3A = arith.constant 0 : i32
      %dma_start3A_25 = arith.constant 0 : i32
      %dma_start3A_26 = tpu.memref_slice %arg4[%dma_start3A, %dma_start3A_25] : memref<1638400x16xf32, #tpu.memory_space<hbm>> -> memref<1638400x16xf32, #tpu.memory_space<hbm>>
      tpu.enqueue_indirect_dma source(%dma_start3A_26 : memref<1638400x16xf32, #tpu.memory_space<hbm>>) target(%arg9 : memref<800x16xf32, #tpu.memory_space<vmem>>) offsets(%arg7 : memref<800xi32, #tpu.memory_space<vmem>>) semaphore(%arg13 : memref<!tpu.dma_semaphore, #tpu.memory_space<semaphore_mem>>)
      %scan3A_27 = arith.constant 0 : i32
      %scan3A_28 = arith.constant 0 : i32
      %scan3A_29 = arith.constant 32 : i32
      %scan3A_30 = arith.addi %scan3A_28, %scan3A_29 : i32
      %scan3A_31 = arith.constant 1 : i32
      %scan3A_32 = scf.for %scan3A_49 = %scan3A_28 to %scan3A_30 step %scan3A_31 iter_args(%scan3A_50 = %scan3A_27) -> (i32)  : i32 {
        %mul3A_51 = arith.constant 32 : i32
        %mul3A_52 = arith.muli %scan3A_49, %mul3A_51 : i32
        %get3A = arith.index_cast %mul3A_52 : i32 to index
        %get3A_53 = tpu.vector_load %arg8[%get3A] {strides = array<i32>} : memref<1024xi32, #tpu.memory_space<vmem>>, vector<16xi32>,
        %mul3A_54 = arith.constant 32 : i32
        %mul3A_55 = arith.muli %scan3A_49, %mul3A_54 : i32
        %add3A_56 = arith.constant 16 : i32
        %add3A_57 = arith.addi %mul3A_55, %add3A_56 : i32
        %get3A_58 = arith.index_cast %add3A_57 : i32 to index
        %get3A_59 = tpu.vector_load %arg8[%get3A_58] {strides = array<i32>} : memref<1024xi32, #tpu.memory_space<vmem>>, vector<16xi32>,
        %slice3A = vector.extract_strided_slice %get3A_53 {offsets = [0], sizes = [1], strides = [1]} : vector<16xi32> to vector<1xi32>
        %squeeze3A = vector.extract %slice3A[0] : i32 from vector<1xi32>
        %broadcast_in_dim3A = vector.broadcast %squeeze3A : i32 to vector<16xi32>
        %gather3A = tpu.vector_load_idx %arg12[%broadcast_in_dim3A, %iota3A] : memref<6400x16xf32, #tpu.memory_space<vmem>>[vector<16xi32>, vector<16xi32>], vector<16xf32>,
        %slice3A_60 = vector.extract_strided_slice %get3A_53 {offsets = [1], sizes = [1], strides = [1]} : vector<16xi32> to vector<1xi32>
        %squeeze3A_61 = vector.extract %slice3A_60[0] : i32 from vector<1xi32>
        %broadcast_in_dim3A_62 = vector.broadcast %squeeze3A_61 : i32 to vector<16xi32>
        %gather3A_63 = tpu.vector_load_idx %arg12[%broadcast_in_dim3A_62, %iota3A] : memref<6400x16xf32, #tpu.memory_space<vmem>>[vector<16xi32>, vector<16xi32>], vector<16xf32>,
        %add3A_64 = arith.addf %gather3A, %gather3A_63 : vector<16xf32>
        %slice3A_65 = vector.extract_strided_slice %get3A_53 {offsets = [2], sizes = [1], strides = [1]} : vector<16xi32> to vector<1xi32>
        %squeeze3A_66 = vector.extract %slice3A_65[0] : i32 from vector<1xi32>
        %broadcast_in_dim3A_67 = vector.broadcast %squeeze3A_66 : i32 to vector<16xi32>
        %gather3A_68 = tpu.vector_load_idx %arg12[%broadcast_in_dim3A_67, %iota3A] : memref<6400x16xf32, #tpu.memory_space<vmem>>[vector<16xi32>, vector<16xi32>], vector<16xf32>,
        %add3A_69 = arith.addf %add3A_64, %gather3A_68 : vector<16xf32>
        %slice3A_70 = vector.extract_strided_slice %get3A_53 {offsets = [3], sizes = [1], strides = [1]} : vector<16xi32> to vector<1xi32>
        %squeeze3A_71 = vector.extract %slice3A_70[0] : i32 from vector<1xi32>
        %broadcast_in_dim3A_72 = vector.broadcast %squeeze3A_71 : i32 to vector<16xi32>
        %gather3A_73 = tpu.vector_load_idx %arg12[%broadcast_in_dim3A_72, %iota3A] : memref<6400x16xf32, #tpu.memory_space<vmem>>[vector<16xi32>, vector<16xi32>], vector<16xf32>,
        %add3A_74 = arith.addf %add3A_69, %gather3A_73 : vector<16xf32>
        %slice3A_75 = vector.extract_strided_slice %get3A_53 {offsets = [4], sizes = [1], strides = [1]} : vector<16xi32> to vector<1xi32>
        %squeeze3A_76 = vector.extract %slice3A_75[0] : i32 from vector<1xi32>
        %broadcast_in_dim3A_77 = vector.broadcast %squeeze3A_76 : i32 to vector<16xi32>
        %gather3A_78 = tpu.vector_load_idx %arg12[%broadcast_in_dim3A_77, %iota3A] : memref<6400x16xf32, #tpu.memory_space<vmem>>[vector<16xi32>, vector<16xi32>], vector<16xf32>,
        %add3A_79 = arith.addf %add3A_74, %gather3A_78 : vector<16xf32>
        %slice3A_80 = vector.extract_strided_slice %get3A_53 {offsets = [5], sizes = [1], strides = [1]} : vector<16xi32> to vector<1xi32>
        %squeeze3A_81 = vector.extract %slice3A_80[0] : i32 from vector<1xi32>
        %broadcast_in_dim3A_82 = vector.broadcast %squeeze3A_81 : i32 to vector<16xi32>
        %gather3A_83 = tpu.vector_load_idx %arg12[%broadcast_in_dim3A_82, %iota3A] : memref<6400x16xf32, #tpu.memory_space<vmem>>[vector<16xi32>, vector<16xi32>], vector<16xf32>,
        %add3A_84 = arith.addf %add3A_79, %gather3A_83 : vector<16xf32>
        %slice3A_85 = vector.extract_strided_slice %get3A_53 {offsets = [6], sizes = [1], strides = [1]} : vector<16xi32> to vector<1xi32>
        %squeeze3A_86 = vector.extract %slice3A_85[0] : i32 from vector<1xi32>
        %broadcast_in_dim3A_87 = vector.broadcast %squeeze3A_86 : i32 to vector<16xi32>
        %gather3A_88 = tpu.vector_load_idx %arg12[%broadcast_in_dim3A_87, %iota3A] : memref<6400x16xf32, #tpu.memory_space<vmem>>[vector<16xi32>, vector<16xi32>], vector<16xf32>,
        %add3A_89 = arith.addf %add3A_84, %gather3A_88 : vector<16xf32>
        %slice3A_90 = vector.extract_strided_slice %get3A_53 {offsets = [7], sizes = [1], strides = [1]} : vector<16xi32> to vector<1xi32>
        %squeeze3A_91 = vector.extract %slice3A_90[0] : i32 from vector<1xi32>
        %broadcast_in_dim3A_92 = vector.broadcast %squeeze3A_91 : i32 to vector<16xi32>
        %gather3A_93 = tpu.vector_load_idx %arg12[%broadcast_in_dim3A_92, %iota3A] : memref<6400x16xf32, #tpu.memory_space<vmem>>[vector<16xi32>, vector<16xi32>], vector<16xf32>,
        %add3A_94 = arith.addf %add3A_89, %gather3A_93 : vector<16xf32>
        %slice3A_95 = vector.extract_strided_slice %get3A_53 {offsets = [8], sizes = [1], strides = [1]} : vector<16xi32> to vector<1xi32>
        %squeeze3A_96 = vector.extract %slice3A_95[0] : i32 from vector<1xi32>
        %broadcast_in_dim3A_97 = vector.broadcast %squeeze3A_96 : i32 to vector<16xi32>
        %gather3A_98 = tpu.vector_load_idx %arg12[%broadcast_in_dim3A_97, %iota3A] : memref<6400x16xf32, #tpu.memory_space<vmem>>[vector<16xi32>, vector<16xi32>], vector<16xf32>,
        %add3A_99 = arith.addf %add3A_94, %gather3A_98 : vector<16xf32>
        %slice3A_100 = vector.extract_strided_slice %get3A_53 {offsets = [9], sizes = [1], strides = [1]} : vector<16xi32> to vector<1xi32>
        %squeeze3A_101 = vector.extract %slice3A_100[0] : i32 from vector<1xi32>
        %broadcast_in_dim3A_102 = vector.broadcast %squeeze3A_101 : i32 to vector<16xi32>
        %gather3A_103 = tpu.vector_load_idx %arg12[%broadcast_in_dim3A_102, %iota3A] : memref<6400x16xf32, #tpu.memory_space<vmem>>[vector<16xi32>, vector<16xi32>], vector<16xf32>,
        %add3A_104 = arith.addf %add3A_99, %gather3A_103 : vector<16xf32>
        %slice3A_105 = vector.extract_strided_slice %get3A_53 {offsets = [10], sizes = [1], strides = [1]} : vector<16xi32> to vector<1xi32>
        %squeeze3A_106 = vector.extract %slice3A_105[0] : i32 from vector<1xi32>
        %broadcast_in_dim3A_107 = vector.broadcast %squeeze3A_106 : i32 to vector<16xi32>
        %gather3A_108 = tpu.vector_load_idx %arg12[%broadcast_in_dim3A_107, %iota3A] : memref<6400x16xf32, #tpu.memory_space<vmem>>[vector<16xi32>, vector<16xi32>], vector<16xf32>,
        %add3A_109 = arith.addf %add3A_104, %gather3A_108 : vector<16xf32>
        %slice3A_110 = vector.extract_strided_slice %get3A_53 {offsets = [11], sizes = [1], strides = [1]} : vector<16xi32> to vector<1xi32>
        %squeeze3A_111 = vector.extract %slice3A_110[0] : i32 from vector<1xi32>
        %broadcast_in_dim3A_112 = vector.broadcast %squeeze3A_111 : i32 to vector<16xi32>
        %gather3A_113 = tpu.vector_load_idx %arg12[%broadcast_in_dim3A_112, %iota3A] : memref<6400x16xf32, #tpu.memory_space<vmem>>[vector<16xi32>, vector<16xi32>], vector<16xf32>,
        %add3A_114 = arith.addf %add3A_109, %gather3A_113 : vector<16xf32>
        %slice3A_115 = vector.extract_strided_slice %get3A_53 {offsets = [12], sizes = [1], strides = [1]} : vector<16xi32> to vector<1xi32>
        %squeeze3A_116 = vector.extract %slice3A_115[0] : i32 from vector<1xi32>
        %broadcast_in_dim3A_117 = vector.broadcast %squeeze3A_116 : i32 to vector<16xi32>
        %gather3A_118 = tpu.vector_load_idx %arg12[%broadcast_in_dim3A_117, %iota3A] : memref<6400x16xf32, #tpu.memory_space<vmem>>[vector<16xi32>, vector<16xi32>], vector<16xf32>,
        %add3A_119 = arith.addf %add3A_114, %gather3A_118 : vector<16xf32>
        %slice3A_120 = vector.extract_strided_slice %get3A_53 {offsets = [13], sizes = [1], strides = [1]} : vector<16xi32> to vector<1xi32>
        %squeeze3A_121 = vector.extract %slice3A_120[0] : i32 from vector<1xi32>
        %broadcast_in_dim3A_122 = vector.broadcast %squeeze3A_121 : i32 to vector<16xi32>
        %gather3A_123 = tpu.vector_load_idx %arg12[%broadcast_in_dim3A_122, %iota3A] : memref<6400x16xf32, #tpu.memory_space<vmem>>[vector<16xi32>, vector<16xi32>], vector<16xf32>,
        %add3A_124 = arith.addf %add3A_119, %gather3A_123 : vector<16xf32>
        %slice3A_125 = vector.extract_strided_slice %get3A_53 {offsets = [14], sizes = [1], strides = [1]} : vector<16xi32> to vector<1xi32>
        %squeeze3A_126 = vector.extract %slice3A_125[0] : i32 from vector<1xi32>
        %broadcast_in_dim3A_127 = vector.broadcast %squeeze3A_126 : i32 to vector<16xi32>
        %gather3A_128 = tpu.vector_load_idx %arg12[%broadcast_in_dim3A_127, %iota3A] : memref<6400x16xf32, #tpu.memory_space<vmem>>[vector<16xi32>, vector<16xi32>], vector<16xf32>,
        %add3A_129 = arith.addf %add3A_124, %gather3A_128 : vector<16xf32>
        %slice3A_130 = vector.extract_strided_slice %get3A_53 {offsets = [15], sizes = [1], strides = [1]} : vector<16xi32> to vector<1xi32>
        %squeeze3A_131 = vector.extract %slice3A_130[0] : i32 from vector<1xi32>
        %broadcast_in_dim3A_132 = vector.broadcast %squeeze3A_131 : i32 to vector<16xi32>
        %gather3A_133 = tpu.vector_load_idx %arg12[%broadcast_in_dim3A_132, %iota3A] : memref<6400x16xf32, #tpu.memory_space<vmem>>[vector<16xi32>, vector<16xi32>], vector<16xf32>,
        %add3A_134 = arith.addf %add3A_129, %gather3A_133 : vector<16xf32>
        %slice3A_135 = vector.extract_strided_slice %get3A_59 {offsets = [0], sizes = [1], strides = [1]} : vector<16xi32> to vector<1xi32>
        %squeeze3A_136 = vector.extract %slice3A_135[0] : i32 from vector<1xi32>
        %broadcast_in_dim3A_137 = vector.broadcast %squeeze3A_136 : i32 to vector<16xi32>
        %gather3A_138 = tpu.vector_load_idx %arg12[%broadcast_in_dim3A_137, %iota3A] : memref<6400x16xf32, #tpu.memory_space<vmem>>[vector<16xi32>, vector<16xi32>], vector<16xf32>,
        %add3A_139 = arith.addf %add3A_134, %gather3A_138 : vector<16xf32>
        %slice3A_140 = vector.extract_strided_slice %get3A_59 {offsets = [1], sizes = [1], strides = [1]} : vector<16xi32> to vector<1xi32>
        %squeeze3A_141 = vector.extract %slice3A_140[0] : i32 from vector<1xi32>
        %broadcast_in_dim3A_142 = vector.broadcast %squeeze3A_141 : i32 to vector<16xi32>
        %gather3A_143 = tpu.vector_load_idx %arg12[%broadcast_in_dim3A_142, %iota3A] : memref<6400x16xf32, #tpu.memory_space<vmem>>[vector<16xi32>, vector<16xi32>], vector<16xf32>,
        %add3A_144 = arith.addf %add3A_139, %gather3A_143 : vector<16xf32>
        %slice3A_145 = vector.extract_strided_slice %get3A_59 {offsets = [2], sizes = [1], strides = [1]} : vector<16xi32> to vector<1xi32>
        %squeeze3A_146 = vector.extract %slice3A_145[0] : i32 from vector<1xi32>
        %broadcast_in_dim3A_147 = vector.broadcast %squeeze3A_146 : i32 to vector<16xi32>
        %gather3A_148 = tpu.vector_load_idx %arg12[%broadcast_in_dim3A_147, %iota3A] : memref<6400x16xf32, #tpu.memory_space<vmem>>[vector<16xi32>, vector<16xi32>], vector<16xf32>,
        %add3A_149 = arith.addf %add3A_144, %gather3A_148 : vector<16xf32>
        %slice3A_150 = vector.extract_strided_slice %get3A_59 {offsets = [3], sizes = [1], strides = [1]} : vector<16xi32> to vector<1xi32>
        %squeeze3A_151 = vector.extract %slice3A_150[0] : i32 from vector<1xi32>
        %broadcast_in_dim3A_152 = vector.broadcast %squeeze3A_151 : i32 to vector<16xi32>
        %gather3A_153 = tpu.vector_load_idx %arg12[%broadcast_in_dim3A_152, %iota3A] : memref<6400x16xf32, #tpu.memory_space<vmem>>[vector<16xi32>, vector<16xi32>], vector<16xf32>,
        %add3A_154 = arith.addf %add3A_149, %gather3A_153 : vector<16xf32>
        %slice3A_155 = vector.extract_strided_slice %get3A_59 {offsets = [4], sizes = [1], strides = [1]} : vector<16xi32> to vector<1xi32>
        %squeeze3A_156 = vector.extract %slice3A_155[0] : i32 from vector<1xi32>
        %broadcast_in_dim3A_157 = vector.broadcast %squeeze3A_156 : i32 to vector<16xi32>
        %gather3A_158 = tpu.vector_load_idx %arg12[%broadcast_in_dim3A_157, %iota3A] : memref<6400x16xf32, #tpu.memory_space<vmem>>[vector<16xi32>, vector<16xi32>], vector<16xf32>,
        %add3A_159 = arith.addf %add3A_154, %gather3A_158 : vector<16xf32>
        %slice3A_160 = vector.extract_strided_slice %get3A_59 {offsets = [5], sizes = [1], strides = [1]} : vector<16xi32> to vector<1xi32>
        %squeeze3A_161 = vector.extract %slice3A_160[0] : i32 from vector<1xi32>
        %broadcast_in_dim3A_162 = vector.broadcast %squeeze3A_161 : i32 to vector<16xi32>
        %gather3A_163 = tpu.vector_load_idx %arg12[%broadcast_in_dim3A_162, %iota3A] : memref<6400x16xf32, #tpu.memory_space<vmem>>[vector<16xi32>, vector<16xi32>], vector<16xf32>,
        %add3A_164 = arith.addf %add3A_159, %gather3A_163 : vector<16xf32>
        %slice3A_165 = vector.extract_strided_slice %get3A_59 {offsets = [6], sizes = [1], strides = [1]} : vector<16xi32> to vector<1xi32>
        %squeeze3A_166 = vector.extract %slice3A_165[0] : i32 from vector<1xi32>
        %broadcast_in_dim3A_167 = vector.broadcast %squeeze3A_166 : i32 to vector<16xi32>
        %gather3A_168 = tpu.vector_load_idx %arg12[%broadcast_in_dim3A_167, %iota3A] : memref<6400x16xf32, #tpu.memory_space<vmem>>[vector<16xi32>, vector<16xi32>], vector<16xf32>,
        %add3A_169 = arith.addf %add3A_164, %gather3A_168 : vector<16xf32>
        %slice3A_170 = vector.extract_strided_slice %get3A_59 {offsets = [7], sizes = [1], strides = [1]} : vector<16xi32> to vector<1xi32>
        %squeeze3A_171 = vector.extract %slice3A_170[0] : i32 from vector<1xi32>
        %broadcast_in_dim3A_172 = vector.broadcast %squeeze3A_171 : i32 to vector<16xi32>
        %gather3A_173 = tpu.vector_load_idx %arg12[%broadcast_in_dim3A_172, %iota3A] : memref<6400x16xf32, #tpu.memory_space<vmem>>[vector<16xi32>, vector<16xi32>], vector<16xf32>,
        %add3A_174 = arith.addf %add3A_169, %gather3A_173 : vector<16xf32>
        %slice3A_175 = vector.extract_strided_slice %get3A_59 {offsets = [8], sizes = [1], strides = [1]} : vector<16xi32> to vector<1xi32>
        %squeeze3A_176 = vector.extract %slice3A_175[0] : i32 from vector<1xi32>
        %broadcast_in_dim3A_177 = vector.broadcast %squeeze3A_176 : i32 to vector<16xi32>
        %gather3A_178 = tpu.vector_load_idx %arg12[%broadcast_in_dim3A_177, %iota3A] : memref<6400x16xf32, #tpu.memory_space<vmem>>[vector<16xi32>, vector<16xi32>], vector<16xf32>,
        %add3A_179 = arith.addf %add3A_174, %gather3A_178 : vector<16xf32>
        %swap3A = arith.index_cast %scan3A_49 : i32 to index
        %swap3A_180 = arith.constant 0 : index
        %swap3A_181 = tpu.vector_load %arg10[%swap3A, %swap3A_180] {strides = array<i32>} : memref<32x16xf32, #tpu.memory_space<vmem>>, vector<16xf32>,
        tpu.vector_store %arg10[%swap3A, %swap3A_180], %add3A_179 {strides = array<i32>} : memref<32x16xf32, #tpu.memory_space<vmem>>, vector<16xf32>,
        %scan3A_182 = arith.constant 0 : i32
        scf.yield %scan3A_182 : i32
      }
      %scan3A_33 = arith.constant 32 : i32
      %dma_wait3A = arith.constant 0 : i32
      %dma_wait3A_34 = arith.constant 0 : i32
      %dma_wait3A_35 = tpu.memref_slice %arg4[%dma_wait3A, %dma_wait3A_34] : memref<1638400x16xf32, #tpu.memory_space<hbm>> -> memref<1638400x16xf32, #tpu.memory_space<hbm>>
      tpu.wait_indirect_dma semaphore(%arg13 : memref<!tpu.dma_semaphore, #tpu.memory_space<semaphore_mem>>) src(%dma_wait3A_35 : memref<1638400x16xf32, #tpu.memory_space<hbm>>) dst(%arg9 : memref<800x16xf32, #tpu.memory_space<vmem>>)
      %scan3A_36 = arith.constant 0 : i32
      %scan3A_37 = arith.constant 0 : i32
      %scan3A_38 = arith.constant 32 : i32
      %scan3A_39 = arith.addi %scan3A_37, %scan3A_38 : i32
      %scan3A_40 = arith.constant 1 : i32
      %scan3A_41 = scf.for %scan3A_49 = %scan3A_37 to %scan3A_39 step %scan3A_40 iter_args(%scan3A_50 = %scan3A_36) -> (i32)  : i32 {
        %get3A = arith.index_cast %scan3A_49 : i32 to index
        %get3A_51 = arith.constant 0 : index
        %get3A_52 = tpu.vector_load %arg10[%get3A, %get3A_51] {strides = array<i32>} : memref<32x16xf32, #tpu.memory_space<vmem>>, vector<16xf32>,
        %get3A_53 = arith.index_cast %scan3A_49 : i32 to index
        %get3A_54 = arith.constant 0 : index
        %get3A_55 = tpu.vector_load %arg9[%get3A_53, %get3A_54] {strides = array<i32>} : memref<800x16xf32, #tpu.memory_space<vmem>>, vector<16xf32>,
        %add3A_56 = arith.addf %get3A_52, %get3A_55 : vector<16xf32>
        %add3A_57 = arith.constant 32 : i32
        %add3A_58 = arith.addi %add3A_57, %scan3A_49 : i32
        %get3A_59 = arith.index_cast %add3A_58 : i32 to index
        %get3A_60 = arith.constant 0 : index
        %get3A_61 = tpu.vector_load %arg9[%get3A_59, %get3A_60] {strides = array<i32>} : memref<800x16xf32, #tpu.memory_space<vmem>>, vector<16xf32>,
        %add3A_62 = arith.addf %add3A_56, %get3A_61 : vector<16xf32>
        %add3A_63 = arith.constant 64 : i32
        %add3A_64 = arith.addi %add3A_63, %scan3A_49 : i32
        %get3A_65 = arith.index_cast %add3A_64 : i32 to index
        %get3A_66 = arith.constant 0 : index
        %get3A_67 = tpu.vector_load %arg9[%get3A_65, %get3A_66] {strides = array<i32>} : memref<800x16xf32, #tpu.memory_space<vmem>>, vector<16xf32>,
        %add3A_68 = arith.addf %add3A_62, %get3A_67 : vector<16xf32>
        %add3A_69 = arith.constant 96 : i32
        %add3A_70 = arith.addi %add3A_69, %scan3A_49 : i32
        %get3A_71 = arith.index_cast %add3A_70 : i32 to index
        %get3A_72 = arith.constant 0 : index
        %get3A_73 = tpu.vector_load %arg9[%get3A_71, %get3A_72] {strides = array<i32>} : memref<800x16xf32, #tpu.memory_space<vmem>>, vector<16xf32>,
        %add3A_74 = arith.addf %add3A_68, %get3A_73 : vector<16xf32>
        %add3A_75 = arith.constant 128 : i32
        %add3A_76 = arith.addi %add3A_75, %scan3A_49 : i32
        %get3A_77 = arith.index_cast %add3A_76 : i32 to index
        %get3A_78 = arith.constant 0 : index
        %get3A_79 = tpu.vector_load %arg9[%get3A_77, %get3A_78] {strides = array<i32>} : memref<800x16xf32, #tpu.memory_space<vmem>>, vector<16xf32>,
        %add3A_80 = arith.addf %add3A_74, %get3A_79 : vector<16xf32>
        %add3A_81 = arith.constant 160 : i32
        %add3A_82 = arith.addi %add3A_81, %scan3A_49 : i32
        %get3A_83 = arith.index_cast %add3A_82 : i32 to index
        %get3A_84 = arith.constant 0 : index
        %get3A_85 = tpu.vector_load %arg9[%get3A_83, %get3A_84] {strides = array<i32>} : memref<800x16xf32, #tpu.memory_space<vmem>>, vector<16xf32>,
        %add3A_86 = arith.addf %add3A_80, %get3A_85 : vector<16xf32>
        %add3A_87 = arith.constant 192 : i32
        %add3A_88 = arith.addi %add3A_87, %scan3A_49 : i32
        %get3A_89 = arith.index_cast %add3A_88 : i32 to index
        %get3A_90 = arith.constant 0 : index
        %get3A_91 = tpu.vector_load %arg9[%get3A_89, %get3A_90] {strides = array<i32>} : memref<800x16xf32, #tpu.memory_space<vmem>>, vector<16xf32>,
        %add3A_92 = arith.addf %add3A_86, %get3A_91 : vector<16xf32>
        %add3A_93 = arith.constant 224 : i32
        %add3A_94 = arith.addi %add3A_93, %scan3A_49 : i32
        %get3A_95 = arith.index_cast %add3A_94 : i32 to index
        %get3A_96 = arith.constant 0 : index
        %get3A_97 = tpu.vector_load %arg9[%get3A_95, %get3A_96] {strides = array<i32>} : memref<800x16xf32, #tpu.memory_space<vmem>>, vector<16xf32>,
        %add3A_98 = arith.addf %add3A_92, %get3A_97 : vector<16xf32>
        %add3A_99 = arith.constant 256 : i32
        %add3A_100 = arith.addi %add3A_99, %scan3A_49 : i32
        %get3A_101 = arith.index_cast %add3A_100 : i32 to index
        %get3A_102 = arith.constant 0 : index
        %get3A_103 = tpu.vector_load %arg9[%get3A_101, %get3A_102] {strides = array<i32>} : memref<800x16xf32, #tpu.memory_space<vmem>>, vector<16xf32>,
        %add3A_104 = arith.addf %add3A_98, %get3A_103 : vector<16xf32>
        %add3A_105 = arith.constant 288 : i32
        %add3A_106 = arith.addi %add3A_105, %scan3A_49 : i32
        %get3A_107 = arith.index_cast %add3A_106 : i32 to index
        %get3A_108 = arith.constant 0 : index
        %get3A_109 = tpu.vector_load %arg9[%get3A_107, %get3A_108] {strides = array<i32>} : memref<800x16xf32, #tpu.memory_space<vmem>>, vector<16xf32>,
        %add3A_110 = arith.addf %add3A_104, %get3A_109 : vector<16xf32>
        %add3A_111 = arith.constant 320 : i32
        %add3A_112 = arith.addi %add3A_111, %scan3A_49 : i32
        %get3A_113 = arith.index_cast %add3A_112 : i32 to index
        %get3A_114 = arith.constant 0 : index
        %get3A_115 = tpu.vector_load %arg9[%get3A_113, %get3A_114] {strides = array<i32>} : memref<800x16xf32, #tpu.memory_space<vmem>>, vector<16xf32>,
        %add3A_116 = arith.addf %add3A_110, %get3A_115 : vector<16xf32>
        %add3A_117 = arith.constant 352 : i32
        %add3A_118 = arith.addi %add3A_117, %scan3A_49 : i32
        %get3A_119 = arith.index_cast %add3A_118 : i32 to index
        %get3A_120 = arith.constant 0 : index
        %get3A_121 = tpu.vector_load %arg9[%get3A_119, %get3A_120] {strides = array<i32>} : memref<800x16xf32, #tpu.memory_space<vmem>>, vector<16xf32>,
        %add3A_122 = arith.addf %add3A_116, %get3A_121 : vector<16xf32>
        %add3A_123 = arith.constant 384 : i32
        %add3A_124 = arith.addi %add3A_123, %scan3A_49 : i32
        %get3A_125 = arith.index_cast %add3A_124 : i32 to index
        %get3A_126 = arith.constant 0 : index
        %get3A_127 = tpu.vector_load %arg9[%get3A_125, %get3A_126] {strides = array<i32>} : memref<800x16xf32, #tpu.memory_space<vmem>>, vector<16xf32>,
        %add3A_128 = arith.addf %add3A_122, %get3A_127 : vector<16xf32>
        %add3A_129 = arith.constant 416 : i32
        %add3A_130 = arith.addi %add3A_129, %scan3A_49 : i32
        %get3A_131 = arith.index_cast %add3A_130 : i32 to index
        %get3A_132 = arith.constant 0 : index
        %get3A_133 = tpu.vector_load %arg9[%get3A_131, %get3A_132] {strides = array<i32>} : memref<800x16xf32, #tpu.memory_space<vmem>>, vector<16xf32>,
        %add3A_134 = arith.addf %add3A_128, %get3A_133 : vector<16xf32>
        %add3A_135 = arith.constant 448 : i32
        %add3A_136 = arith.addi %add3A_135, %scan3A_49 : i32
        %get3A_137 = arith.index_cast %add3A_136 : i32 to index
        %get3A_138 = arith.constant 0 : index
        %get3A_139 = tpu.vector_load %arg9[%get3A_137, %get3A_138] {strides = array<i32>} : memref<800x16xf32, #tpu.memory_space<vmem>>, vector<16xf32>,
        %add3A_140 = arith.addf %add3A_134, %get3A_139 : vector<16xf32>
        %add3A_141 = arith.constant 480 : i32
        %add3A_142 = arith.addi %add3A_141, %scan3A_49 : i32
        %get3A_143 = arith.index_cast %add3A_142 : i32 to index
        %get3A_144 = arith.constant 0 : index
        %get3A_145 = tpu.vector_load %arg9[%get3A_143, %get3A_144] {strides = array<i32>} : memref<800x16xf32, #tpu.memory_space<vmem>>, vector<16xf32>,
        %add3A_146 = arith.addf %add3A_140, %get3A_145 : vector<16xf32>
        %add3A_147 = arith.constant 512 : i32
        %add3A_148 = arith.addi %add3A_147, %scan3A_49 : i32
        %get3A_149 = arith.index_cast %add3A_148 : i32 to index
        %get3A_150 = arith.constant 0 : index
        %get3A_151 = tpu.vector_load %arg9[%get3A_149, %get3A_150] {strides = array<i32>} : memref<800x16xf32, #tpu.memory_space<vmem>>, vector<16xf32>,
        %add3A_152 = arith.addf %add3A_146, %get3A_151 : vector<16xf32>
        %add3A_153 = arith.constant 544 : i32
        %add3A_154 = arith.addi %add3A_153, %scan3A_49 : i32
        %get3A_155 = arith.index_cast %add3A_154 : i32 to index
        %get3A_156 = arith.constant 0 : index
        %get3A_157 = tpu.vector_load %arg9[%get3A_155, %get3A_156] {strides = array<i32>} : memref<800x16xf32, #tpu.memory_space<vmem>>, vector<16xf32>,
        %add3A_158 = arith.addf %add3A_152, %get3A_157 : vector<16xf32>
        %add3A_159 = arith.constant 576 : i32
        %add3A_160 = arith.addi %add3A_159, %scan3A_49 : i32
        %get3A_161 = arith.index_cast %add3A_160 : i32 to index
        %get3A_162 = arith.constant 0 : index
        %get3A_163 = tpu.vector_load %arg9[%get3A_161, %get3A_162] {strides = array<i32>} : memref<800x16xf32, #tpu.memory_space<vmem>>, vector<16xf32>,
        %add3A_164 = arith.addf %add3A_158, %get3A_163 : vector<16xf32>
        %add3A_165 = arith.constant 608 : i32
        %add3A_166 = arith.addi %add3A_165, %scan3A_49 : i32
        %get3A_167 = arith.index_cast %add3A_166 : i32 to index
        %get3A_168 = arith.constant 0 : index
        %get3A_169 = tpu.vector_load %arg9[%get3A_167, %get3A_168] {strides = array<i32>} : memref<800x16xf32, #tpu.memory_space<vmem>>, vector<16xf32>,
        %add3A_170 = arith.addf %add3A_164, %get3A_169 : vector<16xf32>
        %add3A_171 = arith.constant 640 : i32
        %add3A_172 = arith.addi %add3A_171, %scan3A_49 : i32
        %get3A_173 = arith.index_cast %add3A_172 : i32 to index
        %get3A_174 = arith.constant 0 : index
        %get3A_175 = tpu.vector_load %arg9[%get3A_173, %get3A_174] {strides = array<i32>} : memref<800x16xf32, #tpu.memory_space<vmem>>, vector<16xf32>,
        %add3A_176 = arith.addf %add3A_170, %get3A_175 : vector<16xf32>
        %add3A_177 = arith.constant 672 : i32
        %add3A_178 = arith.addi %add3A_177, %scan3A_49 : i32
        %get3A_179 = arith.index_cast %add3A_178 : i32 to index
        %get3A_180 = arith.constant 0 : index
        %get3A_181 = tpu.vector_load %arg9[%get3A_179, %get3A_180] {strides = array<i32>} : memref<800x16xf32, #tpu.memory_space<vmem>>, vector<16xf32>,
        %add3A_182 = arith.addf %add3A_176, %get3A_181 : vector<16xf32>
        %add3A_183 = arith.constant 704 : i32
        %add3A_184 = arith.addi %add3A_183, %scan3A_49 : i32
        %get3A_185 = arith.index_cast %add3A_184 : i32 to index
        %get3A_186 = arith.constant 0 : index
        %get3A_187 = tpu.vector_load %arg9[%get3A_185, %get3A_186] {strides = array<i32>} : memref<800x16xf32, #tpu.memory_space<vmem>>, vector<16xf32>,
        %add3A_188 = arith.addf %add3A_182, %get3A_187 : vector<16xf32>
        %add3A_189 = arith.constant 736 : i32
        %add3A_190 = arith.addi %add3A_189, %scan3A_49 : i32
        %get3A_191 = arith.index_cast %add3A_190 : i32 to index
        %get3A_192 = arith.constant 0 : index
        %get3A_193 = tpu.vector_load %arg9[%get3A_191, %get3A_192] {strides = array<i32>} : memref<800x16xf32, #tpu.memory_space<vmem>>, vector<16xf32>,
        %add3A_194 = arith.addf %add3A_188, %get3A_193 : vector<16xf32>
        %add3A_195 = arith.constant 768 : i32
        %add3A_196 = arith.addi %add3A_195, %scan3A_49 : i32
        %get3A_197 = arith.index_cast %add3A_196 : i32 to index
        %get3A_198 = arith.constant 0 : index
        %get3A_199 = tpu.vector_load %arg9[%get3A_197, %get3A_198] {strides = array<i32>} : memref<800x16xf32, #tpu.memory_space<vmem>>, vector<16xf32>,
        %add3A_200 = arith.addf %add3A_194, %get3A_199 : vector<16xf32>
        %swap3A = arith.index_cast %scan3A_49 : i32 to index
        %swap3A_201 = arith.constant 0 : index
        %swap3A_202 = tpu.vector_load %arg10[%swap3A, %swap3A_201] {strides = array<i32>} : memref<32x16xf32, #tpu.memory_space<vmem>>, vector<16xf32>,
        tpu.vector_store %arg10[%swap3A, %swap3A_201], %add3A_200 {strides = array<i32>} : memref<32x16xf32, #tpu.memory_space<vmem>>, vector<16xf32>,
        %scan3A_203 = arith.constant 0 : i32
        scf.yield %scan3A_203 : i32
      }
      %scan3A_42 = arith.constant 32 : i32
      %mul3A_43 = arith.constant 512 : i32
      %mul3A_44 = arith.muli %add3A, %mul3A_43 : i32
      %mul3A_45 = arith.constant 32 : i32
      %mul3A_46 = arith.muli %scan3A_14, %mul3A_45 : i32
      %add3A_47 = arith.addi %mul3A_44, %mul3A_46 : i32
      "tpu.region"() ({
        %run_scoped3A = tpu.sem_alloc : memref<!tpu.dma_semaphore, #tpu.memory_space<semaphore_mem>>
        %dma_start3A_49 = arith.constant 0 : i32
        %dma_start3A_50 = tpu.memref_slice %arg6[%add3A_47, %dma_start3A_49] : memref<16384x16xf32, #tpu.memory_space<hbm>> -> memref<32x16xf32, #tpu.memory_space<hbm>>
        %dma_start3A_51 = arith.constant 0 : i32
        %dma_start3A_52 = tpu.memref_slice %arg6[%add3A_47, %dma_start3A_51] : memref<16384x16xf32, #tpu.memory_space<hbm>> -> memref<32x16xf32, #tpu.memory_space<hbm>>
        tpu.enqueue_dma source(%arg10 : memref<32x16xf32, #tpu.memory_space<vmem>>) target(%dma_start3A_52 : memref<32x16xf32, #tpu.memory_space<hbm>>) target_semaphore(%run_scoped3A : memref<!tpu.dma_semaphore, #tpu.memory_space<semaphore_mem>>)
        %dma_wait3A_53 = arith.constant 0 : i32
        %dma_wait3A_54 = tpu.memref_slice %arg6[%add3A_47, %dma_wait3A_53] : memref<16384x16xf32, #tpu.memory_space<hbm>> -> memref<32x16xf32, #tpu.memory_space<hbm>>
        %dma_wait3A_55 = arith.constant 0 : i32
        %dma_wait3A_56 = tpu.memref_slice %arg6[%add3A_47, %dma_wait3A_55] : memref<16384x16xf32, #tpu.memory_space<hbm>> -> memref<32x16xf32, #tpu.memory_space<hbm>>
        tpu.wait_dma2 semaphore(%run_scoped3A : memref<!tpu.dma_semaphore, #tpu.memory_space<semaphore_mem>>) src(%arg10 : memref<32x16xf32, #tpu.memory_space<vmem>>) dst(%dma_wait3A_56 : memref<32x16xf32, #tpu.memory_space<hbm>>)
        tpu.yield
      }) : () -> ()
      %scan3A_48 = arith.constant 0 : i32
      scf.yield %scan3A_48 : i32
    }
    %scan3A_13 = arith.constant 16 : i32
    return
  }
}

module attributes {stable_mosaic.version = 14 : i64} {
  func.func @_lse_body(%arg0: i32, %arg1: memref<16x256xf32, #tpu.memory_space<vmem>>, %arg2: memref<1x256x16x256xf32, #tpu.memory_space<vmem>>, %arg3: memref<1x16x256xf32, #tpu.memory_space<vmem>>) attributes {dimension_semantics = [#tpu.dimension_semantics<arbitrary>], iteration_bounds = array<i64: 25>, scalar_prefetch = 0 : i64, scratch_operands = 0 : i64, tpu.core_type = #tpu.core_type<tc>, window_params = [{pipeline_mode = #tpu.pipeline_mode<synchronous>, transform_indices = @transform_0, window_bounds = array<i64: 16, 256>}, {transform_indices = @transform_1, window_bounds = array<i64: 1, 256, 16, 256>}, {transform_indices = @transform_2, window_bounds = array<i64: 1, 16, 256>}]} {
    %get3A = arith.constant 0 : index
    %get3A_0 = arith.constant 0 : index
    %get3A_1 = arith.constant 0 : index
    %get3A_2 = arith.constant 0 : index
    %get3A_3 = vector.load %arg2[%get3A, %get3A_0, %get3A_1, %get3A_2] : memref<1x256x16x256xf32, #tpu.memory_space<vmem>>, vector<1x256x16x256xf32>
    %get3A_4 = vector.shape_cast %get3A_3 : vector<1x256x16x256xf32> to vector<256x16x256xf32>
    %exp3A = math.exp %get3A_4 : vector<256x16x256xf32>
    %reduce_sum3A = arith.constant dense<0.000000e+00> : vector<16x256xf32>
    %reduce_sum3A_5 = vector.multi_reduction <add>, %exp3A, %reduce_sum3A [0] : vector<256x16x256xf32> to vector<16x256xf32>
    %log3A = math.log %reduce_sum3A_5 : vector<16x256xf32>
    %neg3A = arith.constant 0.000000e+00 : f32
    %neg3A_6 = vector.broadcast %neg3A : f32 to vector<16x256xf32>
    %neg3A_7 = arith.subf %neg3A_6, %log3A : vector<16x256xf32>
    %eq3A = arith.constant 0 : i32
    %eq3A_8 = arith.cmpi eq, %arg0, %eq3A : i32
    %get3A_9 = arith.constant 0 : index
    %get3A_10 = arith.constant 0 : index
    %get3A_11 = vector.load %arg1[%get3A_9, %get3A_10] : memref<16x256xf32, #tpu.memory_space<vmem>>, vector<16x256xf32>
    %add3A = arith.addf %neg3A_7, %get3A_11 : vector<16x256xf32>
    %select_n3A = arith.select %eq3A_8, %add3A, %neg3A_7 : vector<16x256xf32>
    %swap3A = arith.constant 0 : index
    %swap3A_12 = arith.constant 0 : index
    %swap3A_13 = arith.constant 0 : index
    %swap3A_14 = vector.load %arg3[%swap3A, %swap3A_12, %swap3A_13] : memref<1x16x256xf32, #tpu.memory_space<vmem>>, vector<1x16x256xf32>
    %swap3A_15 = vector.shape_cast %swap3A_14 : vector<1x16x256xf32> to vector<16x256xf32>
    %swap3A_16 = vector.shape_cast %select_n3A : vector<16x256xf32> to vector<1x16x256xf32>
    tpu.vector_store %arg3[%swap3A, %swap3A_12, %swap3A_13], %swap3A_16 {strides = array<i32>} : memref<1x16x256xf32, #tpu.memory_space<vmem>>, vector<1x16x256xf32>,
    return
  }
  func.func @transform_0(%arg0: i32) -> (i32, i32) {
    %c0_i32 = arith.constant 0 : i32
    %c0_i32_0 = arith.constant 0 : i32
    %c0_i32_1 = arith.constant 0 : i32
    return %c0_i32, %c0_i32_0 : i32, i32
  }
  func.func @transform_1(%arg0: i32) -> (i32, i32, i32, i32) {
    %c0_i32 = arith.constant 0 : i32
    %c0_i32_0 = arith.constant 0 : i32
    %c0_i32_1 = arith.constant 0 : i32
    %c0_i32_2 = arith.constant 0 : i32
    return %arg0, %c0_i32, %c0_i32_0, %c0_i32_1 : i32, i32, i32, i32
  }
  func.func @transform_2(%arg0: i32) -> (i32, i32, i32) {
    %c0_i32 = arith.constant 0 : i32
    %c0_i32_0 = arith.constant 0 : i32
    %c0_i32_1 = arith.constant 0 : i32
    return %arg0, %c0_i32, %c0_i32_0 : i32, i32, i32
  }
}

</mosaic_0001>

<sc_bundles>
// kernel: kernel.4.cloned.1.call-start
scs
__scs_entry_jumppad:
0x0: {  	(pc) =	sbr.rel $0x88, $3  }
0x1: {  	(tag) =	ssettag $0x0;
	lr =	simm.s32 $0x1  }
0x2: {  	[smem:$0x3F9D] =	sst lr;
	_ =	strace $0xD0000000  }
0x3: {  	_ = 	snop  }
0x4: {  	_ = 	snop  }
0x5: {  	_ = 	snop  }
0x6: {  	_ = 	snop  }
0x7: {  	_ = 	snop  }
__scs_overlays_trampoline_lowered:
0x8: {  	[smem:$0x3FAC] =	sst s0  }
0x9: {  	[smem:$0x3FAD] =	sst s1  }
0xa: {  	[smem:$0x3FAE] =	sst s2  }
0xb: {  	[smem:$0x3FAF] =	sst s3  }
0xc: {  	[smem:$0x3FB0] =	sst s4  }
0xd: {  	[smem:$0x3FB1] =	sst s5  }
0xe: {  	[smem:$0x3FB2] =	sst s6  }
0xf: {  	[smem:$0x3FB3] =	sst s7  }
0x10: {  	[smem:$0x3FB4] =	sst s8  }
0x11: {  	[smem:$0x3FB5] =	sst s9;
	s0 =	simm.s32 @!p0 $0x0  }
0x12: {  	s1 =	sld [smem:$0x3F9B];
	s0 =	simm.s32 @p0 $0x1  }
0x13: {  	[smem:$0x3FB6] =	sst s0;
	s0 =	simm.s32 @!p1 $0x0  }
0x14: {  	s2 =	sld [smem:$0x3F9A];
	s0 =	simm.s32 @p1 $0x1  }
0x15: {  	[smem:$0x3FB7] =	sst s0;
	s0 =	simm.s32 @!p2 $0x0  }
0x16: {  	s3 =	sld [smem:$0x3FDB];
	s0 =	simm.s32 @p2 $0x1  }
0x17: {  	s4 =	simm.s32 $0x1BF5;
	[smem:$0x3FB9] =	sst s0  }
0x18: {  	s0 =	sld [smem:$0x3F9C];
	_ =	swait.ge [sflag:s4], $0x0  }
0x19: {  	s7 =	sld [smem:$0x3F9D]  }
0x1a: {  	s8 =	sadd.s32 $0xFFFFE003, lr  }
0x1b: {  	s9 =	sadd.s32 $0xFFFFFEF7, lr;
	s5 =	simm.s32 $0xFFFFFFFF;
	p2 =	slt.u32 s8, $0xFFFFF086  }
0x1c: {  	p1 =	slt.u32 s9, $0xF7A;
	s5 =	simm.s32 @!p2 $0x0  }
0x1d: {  	s5 =	simm.s32 @p1 $0x1;
	p0 =	seq.s32 s7, s2  }
0x1e: {  	s7 =	smul.u32 @!p0 $0xF7A, s2;
	p2 =	seq.s32 @!p0 s5, $0x0  }
0x1f: {  	s9 =	smul.u32 $0xF7A, s1;
	s8 =	simm.s32 @!p0 $0x1BF5;
	p2 =	por !p2, p0  }
0x20: {  	[sflag:s8] =	ssyncset.s32 @!p0 $0xFFFFF086;
	s6 =	sadd.s32 @!p0 s3, s7;
	s7 =	simm.s32 @!p0 $0x108  }
0x21: {  	s3 =	sadd.s32 s3, s9;
	s6 =	sadd.s32 @!p0 $0x88, s6;
	s7 =	simm.s32 @p2 $0x1082  }
0x22: {  	[simem:s7], [sflag:s8] =	dma.local @!p0 [hbm:s6], $0xF7A  }
0x23: {  	s9 =	sor.u32 $0xD0000000, s2;
	s6 =	simm.s32 $0x108;
	_ =	swait.ge @!p0 [sflag:s8], $0x0  }
0x24: {  	s3 =	sadd.s32 $0x88, s3;
	s6 =	simm.s32 @!p1 $0x1082;
	[sflag:s4] =	ssyncset.s32 $0xFFFFF086  }
0x25: {  	[simem:s6], [sflag:s4] =	dma.local [hbm:s3], $0xF7A  }
0x26: {  	[smem:$0x3F9D] =	sst s1;
	(tag) =	ssettag s2;
	_ =	strace s9  }
0x27: {  	s1 =	sld [smem:$0x3FAD]  }
0x28: {  	s2 =	sld [smem:$0x3FAE]  }
0x29: {  	s4 =	sld [smem:$0x3FB0]  }
0x2a: {  	p0 =	seq.s32 s5, $0x0;
	s5 =	sld [smem:$0x3FB1]  }
0x2b: {  	s6 =	sld [smem:$0x3FB2]  }
0x2c: {  	s7 =	sld [smem:$0x3FB3]  }
0x2d: {  	s3 =	simm.s32 $0x108;
	s8 =	sld [smem:$0x3FB4]  }
0x2e: {  	s3 =	simm.s32 @!p0 $0x1082;
	s9 =	sld [smem:$0x3FB5]  }
0x2f: {  	lr =	sadd.s32 s0, s3;
	s0 =	sld [smem:$0x3FAC]  }
0x30: {  	s3 =	sld [smem:$0x3FAF]  }
0x31: {  	[smem:$0x3FB8] =	sst s10  }
0x32: {  	s10 =	sld [smem:$0x3FB6];
	_ =	sdelay $0x3  }
0x33: {  	p0 =	seq.s32 s10, $0x1;
	s10 =	sld [smem:$0x3FB8];
	_ =	sdelay $0x3  }
0x34: {  	[smem:$0x3FB8] =	sst s10  }
0x35: {  	s10 =	sld [smem:$0x3FB7];
	_ =	sdelay $0x3  }
0x36: {  	p1 =	seq.s32 s10, $0x1;
	s10 =	sld [smem:$0x3FB8];
	_ =	sdelay $0x3  }
0x37: {  	[smem:$0x3FB8] =	sst s10  }
0x38: {  	s10 =	sld [smem:$0x3FB9]  }
0x39: {  	_ = 	snop;
	(pc) =	sbr.ind lr, $3  }
0x3a: {  	_ = 	snop  }
0x3b: {  	_ = 	snop  }
0x3c: {  	p2 =	seq.s32 s10, $0x1;
	s10 =	sld [smem:$0x3FB8]  }
0x3d: {  	_ =	shalt  }
0x3e: {  	_ =	shalt  }
0x3f: {  	_ =	shalt  }
0x40: {  	_ =	shalt  }
0x41: {  	_ =	shalt  }
0x42: {  	_ =	shalt  }
0x43: {  	_ =	shalt  }
0x44: {  	_ =	shalt  }
0x45: {  	_ =	shalt  }
0x46: {  	_ =	shalt  }
0x47: {  	_ =	shalt  }
0x48: {  	_ =	shalt  }
0x49: {  	_ =	shalt  }
0x4a: {  	_ =	shalt  }
0x4b: {  	_ =	shalt  }
0x4c: {  	_ =	shalt  }
0x4d: {  	_ =	shalt  }
0x4e: {  	_ =	shalt  }
0x4f: {  	_ =	shalt  }
0x50: {  	_ =	shalt  }
0x51: {  	_ =	shalt  }
0x52: {  	_ =	shalt  }
0x53: {  	_ =	shalt  }
0x54: {  	_ =	shalt  }
0x55: {  	_ =	shalt  }
0x56: {  	_ =	shalt  }
0x57: {  	_ =	shalt  }
0x58: {  	_ =	shalt  }
0x59: {  	_ =	shalt  }
0x5a: {  	_ =	shalt  }
0x5b: {  	_ =	shalt  }
0x5c: {  	_ =	shalt  }
0x5d: {  	_ =	shalt  }
0x5e: {  	_ =	shalt  }
0x5f: {  	_ =	shalt  }
0x60: {  	_ =	shalt  }
0x61: {  	_ =	shalt  }
0x62: {  	_ =	shalt  }
0x63: {  	_ =	shalt  }
0x64: {  	_ =	shalt  }
0x65: {  	_ =	shalt  }
0x66: {  	_ =	shalt  }
0x67: {  	_ =	shalt  }
0x68: {  	_ =	shalt  }
0x69: {  	_ =	shalt  }
0x6a: {  	_ =	shalt  }
0x6b: {  	_ =	shalt  }
0x6c: {  	_ =	shalt  }
0x6d: {  	_ =	shalt  }
0x6e: {  	_ =	shalt  }
0x6f: {  	_ =	shalt  }
0x70: {  	_ =	shalt  }
0x71: {  	_ =	shalt  }
0x72: {  	_ =	shalt  }
0x73: {  	_ =	shalt  }
0x74: {  	_ =	shalt  }
0x75: {  	_ =	shalt  }
0x76: {  	_ =	shalt  }
0x77: {  	_ =	shalt  }
0x78: {  	_ =	shalt  }
0x79: {  	_ =	shalt  }
0x7a: {  	_ =	shalt  }
0x7b: {  	_ =	shalt  }
0x7c: {  	_ =	shalt  }
0x7d: {  	_ =	shalt  }
0x7e: {  	_ =	shalt  }
0x7f: {  	_ =	shalt  }
0x80: {  	_ =	shalt  }
0x81: {  	_ =	shalt  }
0x82: {  	_ =	shalt  }
0x83: {  	_ =	shalt  }
0x84: {  	_ =	shalt  }
0x85: {  	_ =	shalt  }
0x86: {  	_ =	shalt  }
0x87: {  	_ =	shalt  }
.Lfunc_end0:
.L_simem_size_0:
called_computation_lowered:
.L_overlay_start_0:
0x88: {  	s2 =	sld [smem:$0x3FD9]  }
0x89: {  	s3 =	sld [smem:$0x3FFE];
	_ =	sdelay $0x1  }
0x8a: {  	s1 =	srdreg.scid  }
0x8b: {  	s0 =	sand.u32 $0x1, s1  }
0x8c: {  	s17 =	sshll.u32 s0, $0xA;
	s2 =	sadd.s32 s3, s2  }
0x8d: {  	s2 =	sadd.s32 s2, s17  }
0x8e: {  	[smem:$0x3FC4] =	sst s2  }
0x8f: {  	_ = 	snop  }
0x90: {  	s2 =	sld [smem:$0x3FD0];
	(tm) =	ssettm $0x1  }
0x91: {  	s18 =	sld [smem:$0x3FFB];
	_ =	sdelay $0x3  }
0x92: {  	_ =	strace s18  }
0x93: {  	s3 =	sld [smem:$0x3FFC];
	_ =	sdelay $0x3  }
0x94: {  	_ =	strace s3  }
0x95: {  	s3 =	sld [smem:$0x3FFD];
	_ =	sdelay $0x3  }
0x96: {  	_ =	strace s3  }
0x97: {  	_ =	strace $0x8FFFFFFF  }
0x98: {  	s19 =	sld [smem:$0x3FDB];
	_ =	sdelay $0x1  }
0x99: {  	s4 =	simm.s32 $_scs_section_size  }
0x9a: {  	s5 =	simm.s32 $_size__tile_overlayer_lowered;
	s6 =	simm.s32 $_tile_overlayer_lowered  }
0x9b: {  	s22 =	simm.s32 $0x1BFF;
	s21 =	sshll.u32 s6, $0x1;
	s3 =	sadd.s32 s4, s19  }
0x9c: {  	s7 =	simm.s32 $0x0;
	s20 =	sshll.u32 s5, $0x1;
	s5 =	sadd.s32 s21, s3  }
0x9d: {  	[timem:s7], [sflag:s22] =	dma.local [hbm:s5], s20  }
0x9e: {  	_ =	swait.ge [sflag:s22], s20  }
0x9f: {  	s4 =	ssub.s32 $0x0, s20;
	[sflag:s22] =	ssyncset.done $0x0  }
0xa0: {  	[sflag:s22] =	ssyncadd.s32 s4;
	_ =	sdelay $0x1  }
0xa1: {  	s23 =	simm.s32 $0x1B8B  }
0xa2: {  	_ =	swait.ge [sflag:s23], $0x1  }
0xa3: {  	[sflag:s23] =	ssyncset.done $0x0  }
0xa4: {  	s25 =	simm.s32 $0x1B8E;
	s24 =	sld [smem:$0x3FFE];
	[sflag:s23] =	ssyncadd.s32 $0xFFFFFFFF  }
0xa5: {  	s26 =	simm.s32 $execute0_lowered;
	[smem:$0x3FD2] =	sst s25  }
0xa6: {  	s5 =	sshll.u32 s26, $0x1;
	_ =	strace $0x80000046;
	[dreg:$0x1] =	wrdreg $0xFFFFFFFF  }
0xa7: {  	s28 =	simm.s32 $_size_execute0_lowered;
	s3 =	sadd.s32 s3, s5;
	[dreg:$0x0] =	wrdreg $0x0  }
0xa8: {  	s5 =	sshll.u32 s28, $0x1;
	[dreg:$0x2] =	wrdreg s3  }
0xa9: {  	[dreg:$0x3] =	wrdreg s5  }
0xaa: {  	[dreg:$0x4] =	wrdreg $0xC0  }
0xab: {  	_ =	task [dreg:s7], $0x5FFFF  }
0xac: {  	[dreg:$0x1] =	wrdreg $0xFFFFFFFF  }
0xad: {  	[dreg:$0x0] =	wrdreg $0x60  }
0xae: {  	[dreg:$0x2] =	wrdreg s24  }
0xaf: {  	[dreg:$0x3] =	wrdreg s2  }
0xb0: {  	[dreg:$0x4] =	wrdreg $0x9  }
0xb1: {  	_ =	task.clear_ibuf [dreg:s7], $0x5FFFF;
	_ =	strace $0x90000046  }
0xb2: {  	s29 =	simm.s32 $0x9;
	_ =	strace $0x80000048  }
0xb3: {  	_ =	swait.ge [sflag:s29], $0x1  }
0xb4: {  	[sflag:s29] =	ssyncadd.s32 $0xFFFFFFFF  }
0xb5: {  	_ =	strace $0x90000048  }
0xb6: {  	_ =	sfence  }
0xb7: {  	s30 =	sld [smem:$0x0];
	_ =	sdelay $0x2  }
0xb8: {  	s31 =	sshll.u32 s1, $0xD;
	s1 =	sshrl.u32 s1, $0x2  }
0xb9: {  	s3 =	sand.u32 $0x4000, s31;
	s1 =	sadd.s32 s1, s30  }
0xba: {  	s0 =	sor.u32 s3, s0;
	s1 =	sshll.u32 s1, $0x11  }
0xbb: {  	s0 =	sor.u32 s1, s0  }
0xbc: {  	s0 =	sadd.s32 $0x8F2B, s0  }
0xbd: {  	[sflag:s0] =	ssyncadd.remote.s32 $0x1  }
0xbe: {  	_ =	sfence.sel $0xFFFF  }
0xbf: {  	[dreg:$0x0] =	wrdreg $0xFFFFFFFF;
	(pc) =	sbr.abs _section_cstart, $3  }
0xc0: {  	[dreg:$0x1] =	wrdreg $0xFFFFFFFF  }
0xc1: {  	_ =	task.clear_ibuf [dreg:s7], $0x2FFFF;
	_ =	strace $0x9FFFFFFF  }
0xc2: {  	(tm) =	ssettm $0x7FFFFFFF  }
0xc3: {  	_ =	shalt  }
tec
execute0_lowered:
.L_overlay_start_1:
0x0: {  	(tag) =	ssettag $0x1  }
0x1: {  	s1 =	rddreg [dreg:$0x0]  }
0x2: {  	s8 =	rddreg [dreg:$0x1]  }
0x3: {  	s0 =	rddreg [dreg:$0x2];
	s3 =	simm.s32 $0x0;
	s5 =	srdreg.scid  }
0x4: {  	s2 =	stileid.u32;
	s12 =	simm.s32 $0x320;
	s13 =	simm.s32 $0x720  }
0x5: {  	v0 =	vlaneseq.u32;
	vm0 =	vcmask $0x300;
	v10 =	vimm.s32 $0x0;
	s14 =	simm.s32 $0x4B20;
	s15 =	simm.s32 $0x1;
	s16 =	simm.s32 $0x3920  }
0x6: {  	vm9 =	vcmask $0x704;
	vm1 =	vcmask $0xB08;
	vm10 =	vcmask $0xF0C;
	s17 =	simm.s32 $0x0;
	[smem:$0x7FF] =	sst s3;
	s4 =	sadd.s32 $0xC800, s1  }
0x7: {  	vm11 =	vcmask $0x1310;
	vm12 =	vcmask $0x1714;
	vm13 =	vcmask $0x1B18;
	s6 =	sand.u32 $0x1, s5;
	s7 =	sshll.u32 s2, $0x1;
	s5 =	sadd.s32 $0x191C800, s1  }
0x8: {  	vm14 =	vcmask $0x1F1C;
	vm15 =	vcmask $0x2320;
	v1 =	vsel vm0, $0x4, v10;
	_ =	strace $0x80000047;
	s9 =	ssub.s32 $0x2, s6;
	s7 =	sor.u32 s6, s7  }
0x9: {  	v2 =	vsel vm9, $0x4, v10;
	v3 =	vsel vm1, $0x4, v10;
	v4 =	vsel vm10, $0x4, v10;
	s6 =	sadd.s32 $0x1C800, s1;
	s10 =	sshrl.u32 s9, $0x1;
	s11 =	sshll.u32 s7, $0xA  }
0xa: {  	v5 =	vsel vm11, $0x4, v10;
	v6 =	vsel vm12, $0x4, v10;
	v7 =	vsel vm13, $0x4, v10;
	s7 =	sshll.u32 s7, $0x4;
	s9 =	ssub.s32 s9, s10;
	s8 =	sadd.s32 s8, s11  }
0xb: {  	v8 =	vsel vm14, $0x4, v10;
	v9 =	vmul.u32 $0x100, v0;
	v10 =	vsel vm15, $0x4, v10;
	s10 =	simm.s32 $0x3B20;
	s11 =	simm.s32 $0x2;
	s9 =	smax.u32 s9, $0x1  }
.LBB2_1:
0xc: {  	s19 =	simm.s32 $0x4B20;
	s20 =	simm.s32 $0x0  }
.LBB2_2:
0xd: {  	s18 =	simm.s32 $0x0  }
0xe: {  	v11 =	vmov s18  }
0xf: {  	v11 =	vand.u32 $0xFF, v11  }
0x10: {  	v11 =	vbroadcast v11, $0x0  }
0x11: {  	s21 =	sshll.u32 s20, $0x9  }
0x12: {  	s22 =	simm.s32 $0x1;
	s21 =	sadd.s32 s6, s21;
	v11 =	vor.u32 v9, v11  }
0x13: {  	[tilespmem:s10], [sflag:$0x2] =	stream.linear.gather [hbm4b:s21+s18], $0x1000, $0x38;
	[tilespmem:$0x1DB20] =	vst v63  }
0x14: {  	v12 =	vmov s22;
	_ =	swait.ge [sflag:s11], $0x1000  }
0x15: {  	v12 =	vand.u32 $0xFF, v12;
	[sflag:s11] =	ssyncset.done $0x0  }
0x16: {  	v13 =	vbroadcast v12, $0x0;
	[sflag:s11] =	ssyncadd.s32 $0xFFFFF000  }
0x17: {  	v12 =	vld.idx.msk [tilespmem:v11+s10+$0x0], $0xffff  }
0x18: {  	v11 =	vor.u32 v9, v13;
	_ =	sdelay $0x1  }
0x19: {  	s31 =	simm.s32 $0x2  }
0x1a: {  	s21 =	simm.s32 $0x3;
	s18 =	smov.u32 s19;
	v13 =	vmov s31  }
.LBB2_3:
0x1b: {  	p0 =	sne.s32 s21, $0xFF;
	v13 =	vand.u32 $0xFF, v13;
	[tilespmem:s18+$0x0] =	vst v12  }
0x1c: {  	v13 =	vbroadcast v13, $0x0;
	v12 =	vld.idx.msk [tilespmem:v11+s10+$0x0], $0xffff  }
.Ltmp0:
0x1d: {  	(pc) =	sbr.rel @p0 .LBB2_3-.Ltmp0, $2  }
0x1e: {  	v11 =	vor.u32 v9, v13;
	_ =	sdelay $0x2  }
0x1f: {  	s18 =	sadd.s32 $0x10, s18;
	v13 =	vmov s21;
	s21 =	sadd.s32 $0x1, s21  }
0x20: {  	_ =	sdelay $0x1  }
0x21: {  	v13 =	vand.u32 $0xFF, v13  }
0x22: {  	[tilespmem:s18+$0x0] =	vst v12;
	v63 =	vbroadcast v13, $0x0  }
0x23: {  	v11 =	vld.idx.msk [tilespmem:v11+s10+$0x0], $0xffff  }
0x24: {  	v12 =	vor.u32 v9, v63;
	_ =	sdelay $0x2  }
0x25: {  	s31 =	sadd.s32 $0x10, s18  }
0x26: {  	s20 =	sadd.s32 $0x1, s20;
	[tilespmem:s31+$0x0] =	vst v11  }
0x27: {  	p0 =	sne.s32 s20, $0x19;
	v11 =	vld.idx.msk [tilespmem:v12+s10+$0x0], $0xffff  }
.Ltmp1:
0x28: {  	_ = 	snop;
	(pc) =	sbr.rel @p0 .LBB2_2-.Ltmp1, $3  }
0x29: {  	_ =	sdelay $0x1  }
0x2a: {  	s18 =	sadd.s32 $0x10, s31  }
0x2b: {  	s19 =	sadd.s32 $0x1000, s19;
	[tilespmem:s18+$0x0] =	vst v11;
	s18 =	simm.s32 $0x0  }
0x2c: {  	s19 =	simm.s32 $0x0  }
.LBB2_6:
0x2d: {  	s20 =	sadd.s32 s7, s19  }
0x2e: {  	s21 =	smul.u32 $0x64, s20;
	_ =	sdelay $0x1  }
0x2f: {  	s21 =	sadd.s32 s1, s21  }
0x30: {  	[tilespmem:s18], [sflag:$0x2] =	stream.linear.gather [hbm4b:s21+s18], $0x320, $0x38;
	[tilespmem:$0x1DB20] =	vst v63  }
0x31: {  	_ =	swait.ge [sflag:s11], $0x320  }
0x32: {  	s20 =	sshll.u32 s20, $0x7;
	[sflag:s11] =	ssyncset.done $0x0  }
0x33: {  	s20 =	sadd.s32 s4, s20;
	[sflag:s11] =	ssyncadd.s32 $0xFFFFFCE0  }
0x34: {  	[tilespmem:s12], [sflag:$0x2] =	stream.linear.gather [hbm4b:s20+s18], $0x400, $0x38;
	[tilespmem:$0x1DB20] =	vst v63  }
0x35: {  	_ =	swait.ge [sflag:s11], $0x400  }
0x36: {  	[sflag:s11] =	ssyncset.done $0x0  }
0x37: {  	s21 =	simm.s32 $0x330;
	[sflag:s11] =	ssyncadd.s32 $0xFFFFFC00  }
0x38: {  	[tilespmem:s13], [sflag:$0x1] =	stream.indirect.gather [hbm4b:s5+s12], $0x10, s18, s12, $0xb8;
	[tilespmem:$0x1DB20] =	vst v63  }
0x39: {  	v11 =	vld [tilespmem:s21+$0xFFFFFFF0]  }
0x3a: {  	s22 =	simm.s32 $0x40;
	s20 =	simm.s32 $0x0  }
.LBB2_7:
0x3b: {  	p0 =	sne.s32 s22, $0x7C0;
	_ =	sdelay $0x2  }
0x3c: {  	v12 =	vshll.u32 v11, v1  }
0x3d: {  	v13 =	vshll.u32 v11, v2;
	v12 =	vbroadcast v12, $0x0  }
0x3e: {  	v13 =	vbroadcast v13, $0x1  }
0x3f: {  	v14 =	vshll.u32 v11, v3;
	v12 =	vor.u32 v0, v12  }
0x40: {  	v14 =	vbroadcast v14, $0x2;
	v13 =	vor.u32 v0, v13  }
0x41: {  	v15 =	vshll.u32 v11, v4  }
0x42: {  	v15 =	vbroadcast v15, $0x3;
	v14 =	vor.u32 v0, v14  }
0x43: {  	v16 =	vshll.u32 v11, v5  }
0x44: {  	v16 =	vbroadcast v16, $0x4;
	v15 =	vor.u32 v0, v15;
	v12 =	vld.idx.msk [tilespmem:v12+s14+$0x0], $0xffff  }
0x45: {  	v17 =	vshll.u32 v11, v6;
	v13 =	vld.idx.msk [tilespmem:v13+s14+$0x0], $0xffff  }
0x46: {  	v17 =	vbroadcast v17, $0x5;
	v16 =	vor.u32 v0, v16  }
0x47: {  	v18 =	vshll.u32 v11, v7;
	v14 =	vld.idx.msk [tilespmem:v14+s14+$0x0], $0xffff  }
0x48: {  	v18 =	vbroadcast v18, $0x6;
	v17 =	vor.u32 v0, v17  }
0x49: {  	v19 =	vshll.u32 v11, v8;
	v15 =	vld.idx.msk [tilespmem:v15+s14+$0x0], $0xffff  }
0x4a: {  	v19 =	vbroadcast v19, $0x7;
	v18 =	vor.u32 v0, v18  }
0x4b: {  	v12 =	vadd.f32 v13, v12;
	v13 =	vld.idx.msk [tilespmem:v16+s14+$0x0], $0xffff;
	v16 =	vshll.u32 v11, v10  }
0x4c: {  	v19 =	vor.u32 v0, v19;
	v16 =	vbroadcast v16, $0x8  }
0x4d: {  	v11 =	vshll.u32 v11, $0x4;
	v12 =	vadd.f32 v14, v12;
	v14 =	vld.idx.msk [tilespmem:v17+s14+$0x0], $0xffff  }
0x4e: {  	v17 =	vbroadcast v11, $0x9;
	v16 =	vor.u32 v0, v16  }
0x4f: {  	v12 =	vadd.f32 v15, v12;
	v15 =	vld.idx.msk [tilespmem:v18+s14+$0x0], $0xffff  }
0x50: {  	v17 =	vor.u32 v0, v17;
	v18 =	vbroadcast v11, $0xA  }
0x51: {  	v12 =	vadd.f32 v13, v12;
	v13 =	vld.idx.msk [tilespmem:v19+s14+$0x0], $0xffff  }
0x52: {  	v18 =	vor.u32 v0, v18;
	v19 =	vbroadcast v11, $0xB  }
0x53: {  	v12 =	vadd.f32 v14, v12;
	v14 =	vld.idx.msk [tilespmem:v16+s14+$0x0], $0xffff  }
0x54: {  	v16 =	vor.u32 v0, v19;
	v19 =	vbroadcast v11, $0xC  }
0x55: {  	v12 =	vadd.f32 v15, v12;
	v15 =	vld.idx.msk [tilespmem:v17+s14+$0x0], $0xffff  }
0x56: {  	v20 =	vbroadcast v11, $0xD;
	v19 =	vor.u32 v0, v19;
	v17 =	vld [tilespmem:s21+$0x0]  }
0x57: {  	v12 =	vadd.f32 v13, v12;
	v13 =	vld.idx.msk [tilespmem:v18+s14+$0x0], $0xffff  }
0x58: {  	v18 =	vor.u32 v0, v20;
	v20 =	vbroadcast v11, $0xE  }
0x59: {  	v12 =	vadd.f32 v14, v12;
	v14 =	vld.idx.msk [tilespmem:v16+s14+$0x0], $0xffff  }
0x5a: {  	v11 =	vbroadcast v11, $0xF;
	v16 =	vor.u32 v0, v20  }
0x5b: {  	v12 =	vadd.f32 v15, v12;
	v15 =	vld.idx.msk [tilespmem:v19+s14+$0x0], $0xffff;
	v19 =	vshll.u32 v17, v1  }
0x5c: {  	v11 =	vor.u32 v0, v11;
	v19 =	vbroadcast v19, $0x0  }
0x5d: {  	v12 =	vadd.f32 v13, v12;
	v13 =	vld.idx.msk [tilespmem:v18+s14+$0x0], $0xffff;
	v18 =	vshll.u32 v17, v2  }
0x5e: {  	v19 =	vor.u32 v0, v19;
	v18 =	vbroadcast v18, $0x1  }
0x5f: {  	v12 =	vadd.f32 v14, v12;
	v14 =	vld.idx.msk [tilespmem:v16+s14+$0x0], $0xffff;
	v16 =	vshll.u32 v17, v3  }
0x60: {  	v18 =	vor.u32 v0, v18;
	v16 =	vbroadcast v16, $0x2  }
0x61: {  	v12 =	vadd.f32 v15, v12;
	v15 =	vshll.u32 v17, v4;
	v11 =	vld.idx.msk [tilespmem:v11+s14+$0x0], $0xffff  }
0x62: {  	v15 =	vbroadcast v15, $0x3;
	v16 =	vor.u32 v0, v16  }
0x63: {  	v12 =	vadd.f32 v13, v12;
	v13 =	vld.idx.msk [tilespmem:v19+s14+$0x0], $0xffff;
	v19 =	vshll.u32 v17, v5  }
0x64: {  	v15 =	vor.u32 v0, v15;
	v19 =	vbroadcast v19, $0x4  }
0x65: {  	v12 =	vadd.f32 v14, v12;
	v14 =	vld.idx.msk [tilespmem:v18+s14+$0x0], $0xffff;
	v18 =	vshll.u32 v17, v6  }
0x66: {  	v19 =	vor.u32 v0, v19;
	v18 =	vbroadcast v18, $0x5  }
0x67: {  	v11 =	vadd.f32 v11, v12;
	v12 =	vld.idx.msk [tilespmem:v16+s14+$0x0], $0xffff;
	v16 =	vshll.u32 v17, v7  }
0x68: {  	v18 =	vor.u32 v0, v18;
	v16 =	vbroadcast v16, $0x6  }
0x69: {  	v11 =	vadd.f32 v13, v11;
	v13 =	vld.idx.msk [tilespmem:v15+s14+$0x0], $0xffff;
	v15 =	vshll.u32 v17, v8  }
0x6a: {  	v16 =	vor.u32 v0, v16;
	v15 =	vbroadcast v15, $0x7  }
0x6b: {  	v17 =	vshll.u32 v17, v10;
	v11 =	vadd.f32 v14, v11;
	v14 =	vld.idx.msk [tilespmem:v19+s14+$0x0], $0xffff  }
0x6c: {  	v17 =	vbroadcast v17, $0x8;
	v15 =	vor.u32 v0, v15  }
0x6d: {  	v11 =	vadd.f32 v12, v11;
	v12 =	vld.idx.msk [tilespmem:v18+s14+$0x0], $0xffff  }
0x6e: {  	v17 =	vor.u32 v0, v17  }
0x6f: {  	v11 =	vadd.f32 v13, v11;
	v13 =	vld.idx.msk [tilespmem:v16+s14+$0x0], $0xffff;
	_ =	sdelay $0x1  }
0x70: {  	v11 =	vadd.f32 v14, v11;
	v14 =	vld.idx.msk [tilespmem:v15+s14+$0x0], $0xffff;
	_ =	sdelay $0x1  }
0x71: {  	v11 =	vadd.f32 v12, v11;
	v12 =	vld.idx.msk [tilespmem:v17+s14+$0x0], $0xffff;
	_ =	sdelay $0x1  }
0x72: {  	v11 =	vadd.f32 v13, v11;
	_ =	sdelay $0x1  }
0x73: {  	v11 =	vadd.f32 v14, v11;
	_ =	sdelay $0x1  }
.Ltmp2:
0x74: {  	v11 =	vadd.f32 v12, v11;
	(pc) =	sbr.rel @p0 .LBB2_7-.Ltmp2, $4  }
0x75: {  	s23 =	sshra.s32 s20, $0x2;
	s20 =	smov.u32 s22  }
0x76: {  	s21 =	sadd.s32 $0x20, s21;
	[tilespmem:s23+$0x3920] =	vst v11  }
0x77: {  	v11 =	vld [tilespmem:s21+$0xFFFFFFF0]  }
0x78: {  	s22 =	sadd.s32 $0x40, s22  }
0x79: {  	_ =	sdelay $0x2  }
0x7a: {  	v12 =	vshll.u32 v11, v1  }
0x7b: {  	v13 =	vshll.u32 v11, v2;
	v12 =	vbroadcast v12, $0x0  }
0x7c: {  	v13 =	vbroadcast v13, $0x1  }
0x7d: {  	v14 =	vshll.u32 v11, v3;
	v12 =	vor.u32 v0, v12  }
0x7e: {  	v14 =	vbroadcast v14, $0x2;
	v13 =	vor.u32 v0, v13  }
0x7f: {  	v15 =	vshll.u32 v11, v4  }
0x80: {  	v15 =	vbroadcast v15, $0x3;
	v14 =	vor.u32 v0, v14  }
0x81: {  	v16 =	vshll.u32 v11, v5  }
0x82: {  	v16 =	vbroadcast v16, $0x4;
	v15 =	vor.u32 v0, v15;
	v12 =	vld.idx.msk [tilespmem:v12+s14+$0x0], $0xffff  }
0x83: {  	v17 =	vshll.u32 v11, v6;
	v13 =	vld.idx.msk [tilespmem:v13+s14+$0x0], $0xffff  }
0x84: {  	v17 =	vbroadcast v17, $0x5;
	v16 =	vor.u32 v0, v16  }
0x85: {  	v18 =	vshll.u32 v11, v7;
	v14 =	vld.idx.msk [tilespmem:v14+s14+$0x0], $0xffff  }
0x86: {  	v18 =	vbroadcast v18, $0x6;
	v17 =	vor.u32 v0, v17  }
0x87: {  	v19 =	vshll.u32 v11, v8;
	v15 =	vld.idx.msk [tilespmem:v15+s14+$0x0], $0xffff  }
0x88: {  	v19 =	vbroadcast v19, $0x7;
	v18 =	vor.u32 v0, v18;
	v12 =	vadd.f32 v13, v12  }
0x89: {  	v27 =	vshll.u32 v11, v10;
	v26 =	vld.idx.msk [tilespmem:v16+s14+$0x0], $0xffff  }
0x8a: {  	v19 =	vor.u32 v0, v19;
	v16 =	vbroadcast v27, $0x8;
	v12 =	vadd.f32 v14, v12  }
0x8b: {  	v11 =	vshll.u32 v11, $0x4;
	v28 =	vld.idx.msk [tilespmem:v17+s14+$0x0], $0xffff  }
0x8c: {  	v29 =	vbroadcast v11, $0x9;
	v16 =	vor.u32 v0, v16;
	v12 =	vadd.f32 v15, v12  }
0x8d: {  	v30 =	vld.idx.msk [tilespmem:v18+s14+$0x0], $0xffff  }
0x8e: {  	v31 =	vbroadcast v11, $0xA;
	v17 =	vor.u32 v0, v29;
	v12 =	vadd.f32 v26, v12  }
0x8f: {  	v32 =	vld.idx.msk [tilespmem:v19+s14+$0x0], $0xffff  }
0x90: {  	v33 =	vbroadcast v11, $0xB;
	v18 =	vor.u32 v0, v31;
	v12 =	vadd.f32 v28, v12  }
0x91: {  	v34 =	vld.idx.msk [tilespmem:v16+s14+$0x0], $0xffff  }
0x92: {  	v36 =	vbroadcast v11, $0xC;
	v35 =	vor.u32 v0, v33;
	v12 =	vadd.f32 v30, v12  }
0x93: {  	v37 =	vld.idx.msk [tilespmem:v17+s14+$0x0], $0xffff  }
0x94: {  	v38 =	vld [tilespmem:s21+$0x0];
	v20 =	vbroadcast v11, $0xD;
	v19 =	vor.u32 v0, v36;
	v12 =	vadd.f32 v32, v12  }
0x95: {  	v39 =	vld.idx.msk [tilespmem:v18+s14+$0x0], $0xffff  }
0x96: {  	v41 =	vbroadcast v11, $0xE;
	v40 =	vor.u32 v0, v20;
	v12 =	vadd.f32 v34, v12  }
0x97: {  	v42 =	vld.idx.msk [tilespmem:v35+s14+$0x0], $0xffff  }
0x98: {  	v11 =	vbroadcast v11, $0xF;
	v43 =	vor.u32 v0, v41;
	v12 =	vadd.f32 v37, v12  }
0x99: {  	v45 =	vshll.u32 v38, v1;
	v44 =	vld.idx.msk [tilespmem:v19+s14+$0x0], $0xffff  }
0x9a: {  	v11 =	vor.u32 v0, v11;
	v19 =	vbroadcast v45, $0x0;
	v12 =	vadd.f32 v39, v12  }
0x9b: {  	v47 =	vshll.u32 v38, v2;
	v46 =	vld.idx.msk [tilespmem:v40+s14+$0x0], $0xffff  }
0x9c: {  	v18 =	vbroadcast v47, $0x1;
	v19 =	vor.u32 v0, v19;
	v12 =	vadd.f32 v42, v12  }
0x9d: {  	v49 =	vshll.u32 v38, v3;
	v48 =	vld.idx.msk [tilespmem:v43+s14+$0x0], $0xffff  }
0x9e: {  	v18 =	vor.u32 v0, v18;
	v16 =	vbroadcast v49, $0x2;
	v12 =	vadd.f32 v44, v12  }
0x9f: {  	v50 =	vshll.u32 v38, v4;
	v11 =	vld.idx.msk [tilespmem:v11+s14+$0x0], $0xffff  }
0xa0: {  	v16 =	vor.u32 v0, v16;
	v15 =	vbroadcast v50, $0x3;
	v12 =	vadd.f32 v46, v12  }
0xa1: {  	v52 =	vshll.u32 v38, v5;
	v51 =	vld.idx.msk [tilespmem:v19+s14+$0x0], $0xffff  }
0xa2: {  	v15 =	vor.u32 v0, v15;
	v19 =	vbroadcast v52, $0x4;
	v12 =	vadd.f32 v48, v12  }
0xa3: {  	v54 =	vshll.u32 v38, v6;
	v53 =	vld.idx.msk [tilespmem:v18+s14+$0x0], $0xffff  }
0xa4: {  	v18 =	vbroadcast v54, $0x5;
	v19 =	vor.u32 v0, v19;
	v11 =	vadd.f32 v11, v12  }
0xa5: {  	v56 =	vshll.u32 v38, v7;
	v55 =	vld.idx.msk [tilespmem:v16+s14+$0x0], $0xffff  }
0xa6: {  	v18 =	vor.u32 v0, v18;
	v16 =	vbroadcast v56, $0x6;
	v11 =	vadd.f32 v51, v11  }
0xa7: {  	v58 =	vshll.u32 v38, v8;
	v57 =	vld.idx.msk [tilespmem:v15+s14+$0x0], $0xffff  }
0xa8: {  	v16 =	vor.u32 v0, v16;
	v15 =	vbroadcast v58, $0x7;
	v11 =	vadd.f32 v53, v11  }
0xa9: {  	v17 =	vshll.u32 v38, v10;
	v59 =	vld.idx.msk [tilespmem:v19+s14+$0x0], $0xffff  }
0xaa: {  	v17 =	vbroadcast v17, $0x8;
	v15 =	vor.u32 v0, v15;
	v11 =	vadd.f32 v55, v11  }
0xab: {  	v60 =	vld.idx.msk [tilespmem:v18+s14+$0x0], $0xffff  }
0xac: {  	v17 =	vor.u32 v0, v17;
	v11 =	vadd.f32 v57, v11  }
0xad: {  	v61 =	vld.idx.msk [tilespmem:v16+s14+$0x0], $0xffff  }
0xae: {  	v11 =	vadd.f32 v59, v11  }
0xaf: {  	v62 =	vld.idx.msk [tilespmem:v15+s14+$0x0], $0xffff  }
0xb0: {  	v11 =	vadd.f32 v60, v11  }
0xb1: {  	v63 =	vld.idx.msk [tilespmem:v17+s14+$0x0], $0xffff  }
0xb2: {  	v11 =	vadd.f32 v61, v11;
	_ =	sdelay $0x1  }
0xb3: {  	v11 =	vadd.f32 v62, v11;
	_ =	sdelay $0x1  }
0xb4: {  	v11 =	vadd.f32 v63, v11  }
0xb5: {  	s20 =	sshra.s32 s20, $0x2  }
0xb6: {  	[tilespmem:s20+$0x3920] =	vst v11  }
0xb7: {  	_ =	swait.ge [sflag:s15], $0x3200  }
0xb8: {  	[sflag:s15] =	ssyncset.done $0x0  }
0xb9: {  	s20 =	simm.s32 $0x0;
	[sflag:s15] =	ssyncadd.s32 $0xFFFFCE00  }
0xba: {  	s21 =	simm.s32 $0x40;
	v11 =	vld [tilespmem:s20+$0x720]  }
.LBB2_9:
0xbb: {  	p0 =	sne.s32 s21, $0x7C0;
	v12 =	vld [tilespmem:s20+$0x3920];
	_ =	sdelay $0x1  }
0xbc: {  	v13 =	vld [tilespmem:s20+$0x920];
	_ =	sdelay $0x1  }
0xbd: {  	v14 =	vld [tilespmem:s20+$0xB20]  }
0xbe: {  	v11 =	vadd.f32 v11, v12  }
0xbf: {  	v12 =	vld [tilespmem:s20+$0xD20]  }
0xc0: {  	v11 =	vadd.f32 v13, v11  }
0xc1: {  	v13 =	vld [tilespmem:s20+$0xF20]  }
0xc2: {  	v11 =	vadd.f32 v14, v11  }
0xc3: {  	v14 =	vld [tilespmem:s20+$0x1120]  }
0xc4: {  	v11 =	vadd.f32 v12, v11  }
0xc5: {  	v12 =	vld [tilespmem:s20+$0x1320]  }
0xc6: {  	v11 =	vadd.f32 v13, v11  }
0xc7: {  	v13 =	vld [tilespmem:s20+$0x1520]  }
0xc8: {  	v11 =	vadd.f32 v14, v11  }
0xc9: {  	v14 =	vld [tilespmem:s20+$0x1720]  }
0xca: {  	v11 =	vadd.f32 v12, v11  }
0xcb: {  	v12 =	vld [tilespmem:s20+$0x1920]  }
0xcc: {  	v11 =	vadd.f32 v13, v11  }
0xcd: {  	v13 =	vld [tilespmem:s20+$0x1B20]  }
0xce: {  	v11 =	vadd.f32 v14, v11  }
0xcf: {  	v14 =	vld [tilespmem:s20+$0x1D20]  }
0xd0: {  	v11 =	vadd.f32 v12, v11  }
0xd1: {  	v12 =	vld [tilespmem:s20+$0x1F20]  }
0xd2: {  	v11 =	vadd.f32 v13, v11  }
0xd3: {  	v13 =	vld [tilespmem:s20+$0x2120]  }
0xd4: {  	v11 =	vadd.f32 v14, v11  }
0xd5: {  	v14 =	vld [tilespmem:s20+$0x2320]  }
0xd6: {  	v11 =	vadd.f32 v12, v11  }
0xd7: {  	v12 =	vld [tilespmem:s20+$0x2520]  }
0xd8: {  	v11 =	vadd.f32 v13, v11  }
0xd9: {  	v13 =	vld [tilespmem:s20+$0x2720]  }
0xda: {  	v11 =	vadd.f32 v14, v11  }
0xdb: {  	v14 =	vld [tilespmem:s20+$0x2920]  }
0xdc: {  	v11 =	vadd.f32 v12, v11  }
0xdd: {  	v12 =	vld [tilespmem:s20+$0x2B20]  }
0xde: {  	v11 =	vadd.f32 v13, v11  }
0xdf: {  	v13 =	vld [tilespmem:s20+$0x2D20]  }
0xe0: {  	v11 =	vadd.f32 v14, v11  }
0xe1: {  	v14 =	vld [tilespmem:s20+$0x2F20]  }
0xe2: {  	v11 =	vadd.f32 v12, v11  }
0xe3: {  	v12 =	vld [tilespmem:s20+$0x3120]  }
0xe4: {  	v11 =	vadd.f32 v13, v11  }
0xe5: {  	v13 =	vld [tilespmem:s20+$0x3320]  }
0xe6: {  	v11 =	vadd.f32 v14, v11  }
0xe7: {  	v14 =	vld [tilespmem:s20+$0x3520]  }
0xe8: {  	v11 =	vadd.f32 v12, v11  }
0xe9: {  	v12 =	vld [tilespmem:s20+$0x3720]  }
0xea: {  	v11 =	vadd.f32 v13, v11;
	_ =	sdelay $0x1  }
.Ltmp3:
0xeb: {  	v11 =	vadd.f32 v14, v11;
	(pc) =	sbr.rel @p0 .LBB2_9-.Ltmp3, $4  }
0xec: {  	_ = 	snop  }
0xed: {  	v12 =	vadd.f32 v12, v11  }
0xee: {  	s22 =	sshra.s32 s21, $0x2  }
0xef: {  	s21 =	sadd.s32 $0x40, s21;
	v11 =	vld [tilespmem:s22+$0x720];
	[tilespmem:s20+$0x3920] =	vst v12;
	s20 =	smov.u32 s22  }
0xf0: {  	v12 =	vld [tilespmem:s20+$0x3920];
	_ =	sdelay $0x1  }
0xf1: {  	v13 =	vld [tilespmem:s20+$0x920];
	_ =	sdelay $0x1  }
0xf2: {  	v14 =	vld [tilespmem:s20+$0xB20]  }
0xf3: {  	v11 =	vadd.f32 v11, v12  }
0xf4: {  	v42 =	vld [tilespmem:s20+$0xD20]  }
0xf5: {  	v11 =	vadd.f32 v13, v11  }
0xf6: {  	v43 =	vld [tilespmem:s20+$0xF20]  }
0xf7: {  	v11 =	vadd.f32 v14, v11  }
0xf8: {  	v44 =	vld [tilespmem:s20+$0x1120]  }
0xf9: {  	v11 =	vadd.f32 v42, v11  }
0xfa: {  	v45 =	vld [tilespmem:s20+$0x1320]  }
0xfb: {  	v11 =	vadd.f32 v43, v11  }
0xfc: {  	v46 =	vld [tilespmem:s20+$0x1520]  }
0xfd: {  	v11 =	vadd.f32 v44, v11  }
0xfe: {  	v47 =	vld [tilespmem:s20+$0x1720]  }
0xff: {  	v11 =	vadd.f32 v45, v11  }
0x100: {  	v48 =	vld [tilespmem:s20+$0x1920]  }
0x101: {  	v11 =	vadd.f32 v46, v11  }
0x102: {  	v49 =	vld [tilespmem:s20+$0x1B20]  }
0x103: {  	v11 =	vadd.f32 v47, v11  }
0x104: {  	v50 =	vld [tilespmem:s20+$0x1D20]  }
0x105: {  	v11 =	vadd.f32 v48, v11  }
0x106: {  	v51 =	vld [tilespmem:s20+$0x1F20]  }
0x107: {  	v11 =	vadd.f32 v49, v11  }
0x108: {  	v52 =	vld [tilespmem:s20+$0x2120]  }
0x109: {  	v11 =	vadd.f32 v50, v11  }
0x10a: {  	v53 =	vld [tilespmem:s20+$0x2320]  }
0x10b: {  	v11 =	vadd.f32 v51, v11  }
0x10c: {  	v54 =	vld [tilespmem:s20+$0x2520]  }
0x10d: {  	v11 =	vadd.f32 v52, v11  }
0x10e: {  	v55 =	vld [tilespmem:s20+$0x2720]  }
0x10f: {  	v11 =	vadd.f32 v53, v11  }
0x110: {  	v56 =	vld [tilespmem:s20+$0x2920]  }
0x111: {  	v11 =	vadd.f32 v54, v11  }
0x112: {  	v57 =	vld [tilespmem:s20+$0x2B20]  }
0x113: {  	v11 =	vadd.f32 v55, v11  }
0x114: {  	v58 =	vld [tilespmem:s20+$0x2D20]  }
0x115: {  	v11 =	vadd.f32 v56, v11  }
0x116: {  	v59 =	vld [tilespmem:s20+$0x2F20]  }
0x117: {  	v11 =	vadd.f32 v57, v11  }
0x118: {  	v60 =	vld [tilespmem:s20+$0x3120]  }
0x119: {  	v11 =	vadd.f32 v58, v11  }
0x11a: {  	v61 =	vld [tilespmem:s20+$0x3320]  }
0x11b: {  	v11 =	vadd.f32 v59, v11  }
0x11c: {  	v62 =	vld [tilespmem:s20+$0x3520]  }
0x11d: {  	v11 =	vadd.f32 v60, v11  }
0x11e: {  	v63 =	vld [tilespmem:s20+$0x3720]  }
0x11f: {  	v11 =	vadd.f32 v61, v11;
	_ =	sdelay $0x1  }
0x120: {  	v11 =	vadd.f32 v62, v11;
	_ =	sdelay $0x1  }
0x121: {  	s21 =	sshll.u32 s19, $0x6;
	s19 =	sadd.s32 $0x1, s19;
	v11 =	vadd.f32 v63, v11  }
0x122: {  	p0 =	sne.s32 s19, $0x10  }
.Ltmp4:
0x123: {  	s31 =	sadd.s32 s21, s8;
	[tilespmem:s20+$0x3920] =	vst v11;
	(pc) =	sbr.rel @p0 .LBB2_6-.Ltmp4, $4  }
0x124: {  	[hbm4b:s31+s3] =	stream.linear.scatter [tilespmem:s16], [sflag:$0x2], $0x200, $0x38;
	[tilespmem:$0x1DB20] =	vst v63  }
0x125: {  	_ =	swait.ge [sflag:s11], $0x200  }
0x126: {  	[sflag:s11] =	ssyncset.done $0x0  }
0x127: {  	[sflag:s11] =	ssyncadd.s32 $0xFFFFFE00  }
0x128: {  	s17 =	sadd.s32 $0x1, s17  }
0x129: {  	p0 =	sne.s32 s17, s9  }
.Ltmp5:
0x12a: {  	_ = 	snop;
	(pc) =	sbr.rel @p0 .LBB2_1-.Ltmp5, $1  }
0x12b: {  	_ =	sdelay $0x3  }
0x12c: {  	_ =	sfence.sel $0x180000  }
0x12d: {  	[bflag:$0x0] =	sbarrier.arrive $0xFFFF  }
0x12e: {  	p0 =	sne.s32 s2, $0x0;
	_ =	strace $0x90000047  }
0x12f: {  	s0 =	sadd.s32 @!p0 $0x100000, s0;
	[bflag:$0x2] =	sbarrier.arrive $0xFFFF  }
0x130: {  	[sflag:s0] =	ssyncadd.tile.s32 @!p0 $0x1;
	_ =	shalt  }
.Lfunc_end2:
_tile_overlayer_lowered:
.L_overlay_start_2:
0x131: {  	(tag) =	ssettag $0x2  }
0x132: {  	s0 =	rddreg [dreg:$0x0];
	s2 =	stileid.u32  }
0x133: {  	s1 =	rddreg [dreg:$0x1];
	p0 =	sne.s32 s2, $0x0  }
0x134: {  	s3 =	rddreg [dreg:$0x2];
	[bflag:$0x3] =	sbarrier.arrive $0xFFFF;
	s2 =	simm.s32 @!p0 $0x1C02  }
0x135: {  	[timem:s3], [sflag:s2] =	dma.local @!p0 [hbm:s0], s1  }
0x136: {  	s0 =	simm.s32 @!p0 $0x2  }
0x137: {  	_ =	swait.ge @!p0 [sflag:s0], s1  }
0x138: {  	s1 =	ssub.s32 @!p0 $0x0, s1;
	[sflag:s0] =	ssyncset.done @!p0 $0x0  }
0x139: {  	[sflag:s0] =	ssyncadd.s32 @!p0 s1  }
0x13a: {  	[bflag:$0x3] =	sbarrier.arrive $0xFFFF  }
0x13b: {  	_ =	shalt  }

</sc_bundles>
